<compile_context>
chip_gen: v7x
topology: tpu7x:2x2x1
jax: 0.10.2.dev20260603
libtpu: 0.0.44.dev20260713+nightly
codegen_flags: <defaults>
</compile_context>

<pallas_src>
import functools

import jax
import jax.numpy as jnp
from jax import lax
from jax.experimental import pallas as pl
from jax.experimental.pallas import tpu as pltpu
from jax.experimental.pallas import tpu_sc as plsc

N_OBJ = 5000
N_REL = 20000
D_OBJ = 1024
REL_DIM = 512
REL_OUT = 64
NUM_OBJ_CLS = 151
NCLS = 51
CP = 128
VCP = 64

NREL_PAD = 20480
PER_W = NREL_PAD // 32
CH = 128
NCH = PER_W // CH


def _tables_body(of_ref, gf_ref, wab_ref, wg_ref, a_ref, b_ref, g_ref):
    x = of_ref[...]
    ab = jnp.dot(x, wab_ref[...], preferred_element_type=jnp.float32)
    a_ref[...] = ab[:, :CP]
    b_ref[...] = ab[:, CP:]
    g_ref[...] = jnp.dot(gf_ref[...], wg_ref[...],
                         preferred_element_type=jnp.float32)


def _make_tables(obj_fmaps, global_features, w_ab, w_g):
    blk = 1000
    grid = N_OBJ // blk
    return pl.pallas_call(
        _tables_body,
        grid=(grid,),
        in_specs=[
            pl.BlockSpec((blk, D_OBJ), lambda i: (i, 0)),
            pl.BlockSpec((blk, D_OBJ), lambda i: (i, 0)),
            pl.BlockSpec((D_OBJ, 2 * CP), lambda i: (0, 0)),
            pl.BlockSpec((D_OBJ, CP), lambda i: (0, 0)),
        ],
        out_specs=[
            pl.BlockSpec((blk, CP), lambda i: (i, 0)),
            pl.BlockSpec((blk, CP), lambda i: (i, 0)),
            pl.BlockSpec((blk, CP), lambda i: (i, 0)),
        ],
        out_shape=[
            jax.ShapeDtypeStruct((N_OBJ, CP), jnp.float32),
            jax.ShapeDtypeStruct((N_OBJ, CP), jnp.float32),
            jax.ShapeDtypeStruct((N_OBJ, CP), jnp.float32),
        ],
    )(obj_fmaps, global_features, w_ab, w_g)


def _vrterm_body(vr_ref, wpt_ref, bp_ref, wv_ref, bv_ref, r_ref):
    vp = jnp.dot(vr_ref[...], wpt_ref[...],
                 preferred_element_type=jnp.float32) + bp_ref[...]
    r_ref[...] = jnp.dot(vp, wv_ref[...],
                         preferred_element_type=jnp.float32) + bv_ref[...]


def _make_vrterm(vr, wpt, bp, wv, bv):
    blk = 2560
    grid = NREL_PAD // blk
    return pl.pallas_call(
        _vrterm_body,
        grid=(grid,),
        in_specs=[
            pl.BlockSpec((blk, REL_DIM), lambda i: (i, 0)),
            pl.BlockSpec((REL_DIM, REL_OUT), lambda i: (0, 0)),
            pl.BlockSpec((1, REL_OUT), lambda i: (0, 0)),
            pl.BlockSpec((REL_OUT, VCP), lambda i: (0, 0)),
            pl.BlockSpec((1, VCP), lambda i: (0, 0)),
        ],
        out_specs=pl.BlockSpec((blk, VCP), lambda i: (i, 0)),
        out_shape=jax.ShapeDtypeStruct((NREL_PAD, VCP), jnp.float32),
    )(vr, wpt, bp, wv, bv)


def _argmax_body(lg_ref, out_ref):
    x = lg_ref[...]
    col = lax.broadcasted_iota(jnp.int32, x.shape, 1)
    xm = jnp.where(col >= 1, x, -jnp.inf)
    out_ref[...] = jnp.argmax(xm, axis=1).astype(jnp.int32)[:, None]


def _make_argmax(obj_logits):
    blk = 1000
    grid = N_OBJ // blk
    return pl.pallas_call(
        _argmax_body,
        grid=(grid,),
        in_specs=[pl.BlockSpec((blk, NUM_OBJ_CLS), lambda i: (i, 0))],
        out_specs=pl.BlockSpec((blk, 1), lambda i: (i, 0)),
        out_shape=jax.ShapeDtypeStruct((N_OBJ, 1), jnp.int32),
    )(obj_logits)


def _combine_body(s_ref, r_ref, out_ref):
    out_ref[...] = s_ref[:, :NCLS] + r_ref[:, :NCLS]


def _make_combine(s, r):
    blk = 2000
    grid = N_REL // blk
    return pl.pallas_call(
        _combine_body,
        grid=(grid,),
        in_specs=[
            pl.BlockSpec((blk, CP), lambda i: (i, 0)),
            pl.BlockSpec((blk, VCP), lambda i: (i, 0)),
        ],
        out_specs=pl.BlockSpec((blk, NCLS), lambda i: (i, 0)),
        out_shape=jax.ShapeDtypeStruct((N_REL, NCLS), jnp.float32),
    )(s, r)


def _sc_body(a_hbm, b_hbm, g_hbm, ig_hbm, is_hbm, io_hbm, out_hbm,
             ig_v, is_v, io_v, acc0, acc1,
             sem_i, sem_a0, sem_a1, sem_bg0, sem_bg1,
             sem_o0, sem_o1):
    cid = lax.axis_index("c")
    sid = lax.axis_index("s")
    wid = sid * 2 + cid
    base = wid * PER_W
    i1 = pltpu.async_copy(ig_hbm.at[pl.ds(base, PER_W)], ig_v, sem_i)
    i2 = pltpu.async_copy(is_hbm.at[pl.ds(base, PER_W)], is_v, sem_i)
    i3 = pltpu.async_copy(io_hbm.at[pl.ds(base, PER_W)], io_v, sem_i)
    i1.wait()
    i2.wait()
    i3.wait()

    accs = (acc0, acc1)
    asems = (sem_a0, sem_a1)
    bgsems = (sem_bg0, sem_bg1)
    osems = (sem_o0, sem_o1)

    def issue_a(k):
        return pltpu.async_copy(a_hbm.at[is_v.at[pl.ds(k * CH, CH)]],
                                accs[k % 2], asems[k % 2])

    a_cp = {0: issue_a(0)}
    out_cp = [None, None]
    for k in range(NCH):
        p = k % 2
        off = k * CH
        a_cp.pop(k).wait()
        cb = pltpu.async_copy(b_hbm.at[io_v.at[pl.ds(off, CH)]], accs[p],
                              bgsems[p], add=True)
        cg = pltpu.async_copy(g_hbm.at[ig_v.at[pl.ds(off, CH)]], accs[p],
                              bgsems[p], add=True)
        if k + 1 < NCH:
            if out_cp[1 - p] is not None:
                out_cp[1 - p].wait()
            a_cp[k + 1] = issue_a(k + 1)
        cb.wait()
        cg.wait()
        out_cp[p] = pltpu.async_copy(accs[p],
                                     out_hbm.at[pl.ds(base + off, CH)],
                                     osems[p])
    out_cp[(NCH - 1) % 2].wait()
    if out_cp[NCH % 2] is not None:
        out_cp[NCH % 2].wait()


def _sc_gather_combine(a_t, b_t, g_t, idx_img, idx_subj, idx_obj):
    mesh = plsc.VectorSubcoreMesh(core_axis_name="c", subcore_axis_name="s")
    k = functools.partial(
        pl.kernel,
        mesh=mesh,
        out_type=jax.ShapeDtypeStruct((NREL_PAD, CP), jnp.float32),
        scratch_types=[
            pltpu.VMEM((PER_W,), jnp.int32),
            pltpu.VMEM((PER_W,), jnp.int32),
            pltpu.VMEM((PER_W,), jnp.int32),
            pltpu.VMEM((CH, CP), jnp.float32),
            pltpu.VMEM((CH, CP), jnp.float32),
            pltpu.SemaphoreType.DMA,
            pltpu.SemaphoreType.DMA,
            pltpu.SemaphoreType.DMA,
            pltpu.SemaphoreType.DMA,
            pltpu.SemaphoreType.DMA,
            pltpu.SemaphoreType.DMA,
            pltpu.SemaphoreType.DMA,
        ],
    )(_sc_body)
    return k(a_t, b_t, g_t, idx_img, idx_subj, idx_obj)


def kernel(obj_fmaps, obj_logits, vr, rel_inds, global_features,
           W_proj, b_proj, W_vr, b_vr):
    wt = W_vr.T
    pad_c = lambda w, c: jnp.pad(w, ((0, 0), (0, c - NCLS)))
    w1t = pad_c(wt[:D_OBJ], CP)
    w2t = pad_c(wt[D_OBJ:2 * D_OBJ], CP)
    wv = pad_c(wt[2 * D_OBJ:2 * D_OBJ + REL_OUT], VCP)
    wg = pad_c(wt[2 * D_OBJ + REL_OUT:], CP)
    w_ab = jnp.concatenate([w1t, w2t], axis=1)
    wpt = W_proj.T
    bp = b_proj[None, :]
    bv = pad_c(b_vr[None, :], VCP)

    a_t, b_t, g_t = _make_tables(obj_fmaps, global_features, w_ab, wg)
    r_t = _make_vrterm(vr, wpt, bp, wv, bv)
    preds = _make_argmax(obj_logits)

    pad_n = NREL_PAD - N_REL
    idx_img = jnp.pad(rel_inds[:, 0], (0, pad_n))
    idx_subj = jnp.pad(rel_inds[:, 1], (0, pad_n))
    idx_obj = jnp.pad(rel_inds[:, 2], (0, pad_n))
    s = _sc_gather_combine(a_t, b_t, g_t, idx_img, idx_subj, idx_obj)

    rel_dists = _make_combine(s, r_t)
    return (obj_logits, preds.reshape(-1), rel_dists)

# --- scband reference (transcript-rebuilt; emitter-appended) ---
"""Pipeline reference for scband-vrfc-68015102099917 (READ-ONLY COPY).

The authoritative reference and input builder live on the scoring server;
editing this copy changes nothing except your own understanding.
"""

import jax, jax.numpy as jnp
import numpy as np

N_OBJ = 5000
N_REL = 20000
D_OBJ = 1024
D_GLOBAL = 1024
REL_DIM = 512
REL_OUT = 64
NUM_OBJ_CLS = 151
NUM_REL_CLS = 51
OBJ_REL_DIM = 2 * D_OBJ + REL_OUT + D_GLOBAL  # 3136


def setup_inputs(seed: int = 0) -> dict:
    key = jax.random.key(seed)
    ks = jax.random.split(key, 10)
    obj_fmaps = jax.random.normal(ks[0], (N_OBJ, D_OBJ), dtype=jnp.float32)
    obj_logits = jax.random.normal(ks[1], (N_OBJ, NUM_OBJ_CLS), dtype=jnp.float32)
    vr = jax.random.normal(ks[2], (N_REL, REL_DIM), dtype=jnp.float32)
    # rel_inds columns: [image_idx, subj_obj_idx, obj_obj_idx]; all indices < N_OBJ
    rel_inds = jax.random.randint(ks[3], (N_REL, 3), 0, N_OBJ, dtype=jnp.int32)
    global_features = jax.random.normal(ks[4], (N_OBJ, D_GLOBAL), dtype=jnp.float32)
    # learned params (per init_kwargs)
    W_proj = jax.random.normal(ks[5], (REL_OUT, REL_DIM), dtype=jnp.float32) / np.sqrt(REL_DIM)
    b_proj = jnp.zeros((REL_OUT,), dtype=jnp.float32)
    W_vr = jax.random.normal(ks[6], (NUM_REL_CLS, OBJ_REL_DIM), dtype=jnp.float32) / np.sqrt(OBJ_REL_DIM)
    b_vr = jnp.zeros((NUM_REL_CLS,), dtype=jnp.float32)
    return {
        "obj_fmaps": obj_fmaps,
        "obj_logits": obj_logits,
        "vr": vr,
        "rel_inds": rel_inds,
        "global_features": global_features,
        "W_proj": W_proj,
        "b_proj": b_proj,
        "W_vr": W_vr,
        "b_vr": b_vr,
    }


def reference(obj_fmaps, obj_logits, vr, rel_inds, global_features, W_proj, b_proj, W_vr, b_vr):
    # mode == 'sgcls' (not 'predcls', not sgdet-eval): obj_dists2 = obj_logits,
    # obj_preds from argmax over classes 1..C-1, NMS branch skipped.
    obj_dists2 = obj_logits
    obj_preds = jnp.argmax(obj_dists2[:, 1:], axis=1) + 1
    # vr = self.rel_proj(vr)
    vr_p = vr @ W_proj.T + b_proj
    # per-relation feature: [obj_fmaps[subj], obj_fmaps[obj], vr[i], global_features[img]]
    glob = jnp.take(global_features, rel_inds[:, 0], axis=0)
    subj = jnp.take(obj_fmaps, rel_inds[:, 1], axis=0)
    objf = jnp.take(obj_fmaps, rel_inds[:, 2], axis=0)
    f_obj_rel = jnp.concatenate([subj, objf, vr_p, glob], axis=1)
    # rel_dists = self.vr_fc(f_obj_rel)
    rel_dists = f_obj_rel @ W_vr.T + b_vr
    return (obj_dists2, obj_preds, rel_dists)

if __name__ == "__main__":
    import jax
    _d = setup_inputs()
    print(jax.jit(kernel)(*tuple(_d.values())))

</pallas_src>

<mosaic_0001>
#map = affine_map<(d0, d1) -> (0, 0)>
#map1 = affine_map<(d0, d1) -> (0)>
module attributes {stable_mosaic.version = 14 : i64} {
  func.func @_sc_body(%arg0: i32, %arg1: i32, %arg2: memref<5000x128xf32, #tpu.memory_space<hbm>>, %arg3: memref<5000x128xf32, #tpu.memory_space<hbm>>, %arg4: memref<5000x128xf32, #tpu.memory_space<hbm>>, %arg5: memref<20480xi32, #tpu.memory_space<hbm>>, %arg6: memref<20480xi32, #tpu.memory_space<hbm>>, %arg7: memref<20480xi32, #tpu.memory_space<hbm>>, %arg8: memref<20480x128xf32, #tpu.memory_space<hbm>>, %arg9: memref<640xi32, #tpu.memory_space<vmem>>, %arg10: memref<640xi32, #tpu.memory_space<vmem>>, %arg11: memref<640xi32, #tpu.memory_space<vmem>>, %arg12: memref<128x128xf32, #tpu.memory_space<vmem>>, %arg13: memref<128x128xf32, #tpu.memory_space<vmem>>, %arg14: memref<!tpu.dma_semaphore, #tpu.memory_space<semaphore_mem>>, %arg15: memref<!tpu.dma_semaphore, #tpu.memory_space<semaphore_mem>>, %arg16: memref<!tpu.dma_semaphore, #tpu.memory_space<semaphore_mem>>, %arg17: memref<!tpu.dma_semaphore, #tpu.memory_space<semaphore_mem>>, %arg18: memref<!tpu.dma_semaphore, #tpu.memory_space<semaphore_mem>>, %arg19: memref<!tpu.dma_semaphore, #tpu.memory_space<semaphore_mem>>, %arg20: memref<!tpu.dma_semaphore, #tpu.memory_space<semaphore_mem>>) attributes {dimension_semantics = [#tpu.dimension_semantics<core_parallel>, #tpu.dimension_semantics<subcore_parallel>], iteration_bounds = array<i64: 2, 16>, scalar_prefetch = 0 : i64, scratch_operands = 12 : i64, tpu.core_type = #tpu.core_type<sc_vector_subcore>, window_params = [{transform_indices = #map}, {transform_indices = #map}, {transform_indices = #map}, {transform_indices = #map1}, {transform_indices = #map1}, {transform_indices = #map1}, {transform_indices = #map}]} {
    %mul3A = arith.constant 2 : i32
    %mul3A_0 = arith.muli %arg1, %mul3A : i32
    %add3A = arith.addi %mul3A_0, %arg0 : i32
    %mul3A_1 = arith.constant 640 : i32
    %mul3A_2 = arith.muli %add3A, %mul3A_1 : i32
    %dma_start3A = tpu.memref_slice %arg5[%mul3A_2] : memref<20480xi32, #tpu.memory_space<hbm>> -> memref<640xi32, #tpu.memory_space<hbm>>
    %dma_start3A_3 = tpu.memref_slice %arg5[%mul3A_2] : memref<20480xi32, #tpu.memory_space<hbm>> -> memref<640xi32, #tpu.memory_space<hbm>>
    tpu.enqueue_dma source(%dma_start3A_3 : memref<640xi32, #tpu.memory_space<hbm>>) target(%arg9 : memref<640xi32, #tpu.memory_space<vmem>>) target_semaphore(%arg14 : memref<!tpu.dma_semaphore, #tpu.memory_space<semaphore_mem>>)
    %dma_start3A_4 = tpu.memref_slice %arg6[%mul3A_2] : memref<20480xi32, #tpu.memory_space<hbm>> -> memref<640xi32, #tpu.memory_space<hbm>>
    %dma_start3A_5 = tpu.memref_slice %arg6[%mul3A_2] : memref<20480xi32, #tpu.memory_space<hbm>> -> memref<640xi32, #tpu.memory_space<hbm>>
    tpu.enqueue_dma source(%dma_start3A_5 : memref<640xi32, #tpu.memory_space<hbm>>) target(%arg10 : memref<640xi32, #tpu.memory_space<vmem>>) target_semaphore(%arg14 : memref<!tpu.dma_semaphore, #tpu.memory_space<semaphore_mem>>)
    %dma_start3A_6 = tpu.memref_slice %arg7[%mul3A_2] : memref<20480xi32, #tpu.memory_space<hbm>> -> memref<640xi32, #tpu.memory_space<hbm>>
    %dma_start3A_7 = tpu.memref_slice %arg7[%mul3A_2] : memref<20480xi32, #tpu.memory_space<hbm>> -> memref<640xi32, #tpu.memory_space<hbm>>
    tpu.enqueue_dma source(%dma_start3A_7 : memref<640xi32, #tpu.memory_space<hbm>>) target(%arg11 : memref<640xi32, #tpu.memory_space<vmem>>) target_semaphore(%arg14 : memref<!tpu.dma_semaphore, #tpu.memory_space<semaphore_mem>>)
    %dma_wait3A = tpu.memref_slice %arg5[%mul3A_2] : memref<20480xi32, #tpu.memory_space<hbm>> -> memref<640xi32, #tpu.memory_space<hbm>>
    %dma_wait3A_8 = tpu.memref_slice %arg5[%mul3A_2] : memref<20480xi32, #tpu.memory_space<hbm>> -> memref<640xi32, #tpu.memory_space<hbm>>
    tpu.wait_dma2 semaphore(%arg14 : memref<!tpu.dma_semaphore, #tpu.memory_space<semaphore_mem>>) src(%dma_wait3A_8 : memref<640xi32, #tpu.memory_space<hbm>>) dst(%arg9 : memref<640xi32, #tpu.memory_space<vmem>>)
    %dma_wait3A_9 = tpu.memref_slice %arg6[%mul3A_2] : memref<20480xi32, #tpu.memory_space<hbm>> -> memref<640xi32, #tpu.memory_space<hbm>>
    %dma_wait3A_10 = tpu.memref_slice %arg6[%mul3A_2] : memref<20480xi32, #tpu.memory_space<hbm>> -> memref<640xi32, #tpu.memory_space<hbm>>
    tpu.wait_dma2 semaphore(%arg14 : memref<!tpu.dma_semaphore, #tpu.memory_space<semaphore_mem>>) src(%dma_wait3A_10 : memref<640xi32, #tpu.memory_space<hbm>>) dst(%arg10 : memref<640xi32, #tpu.memory_space<vmem>>)
    %dma_wait3A_11 = tpu.memref_slice %arg7[%mul3A_2] : memref<20480xi32, #tpu.memory_space<hbm>> -> memref<640xi32, #tpu.memory_space<hbm>>
    %dma_wait3A_12 = tpu.memref_slice %arg7[%mul3A_2] : memref<20480xi32, #tpu.memory_space<hbm>> -> memref<640xi32, #tpu.memory_space<hbm>>
    tpu.wait_dma2 semaphore(%arg14 : memref<!tpu.dma_semaphore, #tpu.memory_space<semaphore_mem>>) src(%dma_wait3A_12 : memref<640xi32, #tpu.memory_space<hbm>>) dst(%arg11 : memref<640xi32, #tpu.memory_space<vmem>>)
    %dma_start3A_13 = arith.constant 0 : i32
    %dma_start3A_14 = tpu.memref_slice %arg10[%dma_start3A_13] : memref<640xi32, #tpu.memory_space<vmem>> -> memref<128xi32, #tpu.memory_space<vmem>>
    %dma_start3A_15 = arith.constant 0 : i32
    %dma_start3A_16 = arith.constant 0 : i32
    %dma_start3A_17 = tpu.memref_slice %arg2[%dma_start3A_15, %dma_start3A_16] : memref<5000x128xf32, #tpu.memory_space<hbm>> -> memref<5000x128xf32, #tpu.memory_space<hbm>>
    tpu.enqueue_indirect_dma source(%dma_start3A_17 : memref<5000x128xf32, #tpu.memory_space<hbm>>) target(%arg12 : memref<128x128xf32, #tpu.memory_space<vmem>>) offsets(%dma_start3A_14 : memref<128xi32, #tpu.memory_space<vmem>>) semaphore(%arg15 : memref<!tpu.dma_semaphore, #tpu.memory_space<semaphore_mem>>)
    %dma_wait3A_18 = arith.constant 0 : i32
    %dma_wait3A_19 = tpu.memref_slice %arg10[%dma_wait3A_18] : memref<640xi32, #tpu.memory_space<vmem>> -> memref<128xi32, #tpu.memory_space<vmem>>
    %dma_wait3A_20 = arith.constant 0 : i32
    %dma_wait3A_21 = arith.constant 0 : i32
    %dma_wait3A_22 = tpu.memref_slice %arg2[%dma_wait3A_20, %dma_wait3A_21] : memref<5000x128xf32, #tpu.memory_space<hbm>> -> memref<5000x128xf32, #tpu.memory_space<hbm>>
    tpu.wait_indirect_dma semaphore(%arg15 : memref<!tpu.dma_semaphore, #tpu.memory_space<semaphore_mem>>) src(%dma_wait3A_22 : memref<5000x128xf32, #tpu.memory_space<hbm>>) dst(%arg12 : memref<128x128xf32, #tpu.memory_space<vmem>>)
    %dma_start3A_23 = arith.constant 0 : i32
    %dma_start3A_24 = tpu.memref_slice %arg11[%dma_start3A_23] : memref<640xi32, #tpu.memory_space<vmem>> -> memref<128xi32, #tpu.memory_space<vmem>>
    %dma_start3A_25 = arith.constant 0 : i32
    %dma_start3A_26 = arith.constant 0 : i32
    %dma_start3A_27 = tpu.memref_slice %arg3[%dma_start3A_25, %dma_start3A_26] : memref<5000x128xf32, #tpu.memory_space<hbm>> -> memref<5000x128xf32, #tpu.memory_space<hbm>>
    tpu.enqueue_indirect_dma source(%dma_start3A_27 : memref<5000x128xf32, #tpu.memory_space<hbm>>) target(%arg12 : memref<128x128xf32, #tpu.memory_space<vmem>>) offsets(%dma_start3A_24 : memref<128xi32, #tpu.memory_space<vmem>>) semaphore(%arg17 : memref<!tpu.dma_semaphore, #tpu.memory_space<semaphore_mem>>) {add = true}
    %dma_start3A_28 = arith.constant 0 : i32
    %dma_start3A_29 = tpu.memref_slice %arg9[%dma_start3A_28] : memref<640xi32, #tpu.memory_space<vmem>> -> memref<128xi32, #tpu.memory_space<vmem>>
    %dma_start3A_30 = arith.constant 0 : i32
    %dma_start3A_31 = arith.constant 0 : i32
    %dma_start3A_32 = tpu.memref_slice %arg4[%dma_start3A_30, %dma_start3A_31] : memref<5000x128xf32, #tpu.memory_space<hbm>> -> memref<5000x128xf32, #tpu.memory_space<hbm>>
    tpu.enqueue_indirect_dma source(%dma_start3A_32 : memref<5000x128xf32, #tpu.memory_space<hbm>>) target(%arg12 : memref<128x128xf32, #tpu.memory_space<vmem>>) offsets(%dma_start3A_29 : memref<128xi32, #tpu.memory_space<vmem>>) semaphore(%arg17 : memref<!tpu.dma_semaphore, #tpu.memory_space<semaphore_mem>>) {add = true}
    %dma_start3A_33 = arith.constant 128 : i32
    %dma_start3A_34 = tpu.memref_slice %arg10[%dma_start3A_33] : memref<640xi32, #tpu.memory_space<vmem>> -> memref<128xi32, #tpu.memory_space<vmem>>
    %dma_start3A_35 = arith.constant 0 : i32
    %dma_start3A_36 = arith.constant 0 : i32
    %dma_start3A_37 = tpu.memref_slice %arg2[%dma_start3A_35, %dma_start3A_36] : memref<5000x128xf32, #tpu.memory_space<hbm>> -> memref<5000x128xf32, #tpu.memory_space<hbm>>
    tpu.enqueue_indirect_dma source(%dma_start3A_37 : memref<5000x128xf32, #tpu.memory_space<hbm>>) target(%arg13 : memref<128x128xf32, #tpu.memory_space<vmem>>) offsets(%dma_start3A_34 : memref<128xi32, #tpu.memory_space<vmem>>) semaphore(%arg16 : memref<!tpu.dma_semaphore, #tpu.memory_space<semaphore_mem>>)
    %dma_wait3A_38 = arith.constant 0 : i32
    %dma_wait3A_39 = tpu.memref_slice %arg11[%dma_wait3A_38] : memref<640xi32, #tpu.memory_space<vmem>> -> memref<128xi32, #tpu.memory_space<vmem>>
    %dma_wait3A_40 = arith.constant 0 : i32
    %dma_wait3A_41 = arith.constant 0 : i32
    %dma_wait3A_42 = tpu.memref_slice %arg3[%dma_wait3A_40, %dma_wait3A_41] : memref<5000x128xf32, #tpu.memory_space<hbm>> -> memref<5000x128xf32, #tpu.memory_space<hbm>>
    tpu.wait_indirect_dma semaphore(%arg17 : memref<!tpu.dma_semaphore, #tpu.memory_space<semaphore_mem>>) src(%dma_wait3A_42 : memref<5000x128xf32, #tpu.memory_space<hbm>>) dst(%arg12 : memref<128x128xf32, #tpu.memory_space<vmem>>)
    %dma_wait3A_43 = arith.constant 0 : i32
    %dma_wait3A_44 = tpu.memref_slice %arg9[%dma_wait3A_43] : memref<640xi32, #tpu.memory_space<vmem>> -> memref<128xi32, #tpu.memory_space<vmem>>
    %dma_wait3A_45 = arith.constant 0 : i32
    %dma_wait3A_46 = arith.constant 0 : i32
    %dma_wait3A_47 = tpu.memref_slice %arg4[%dma_wait3A_45, %dma_wait3A_46] : memref<5000x128xf32, #tpu.memory_space<hbm>> -> memref<5000x128xf32, #tpu.memory_space<hbm>>
    tpu.wait_indirect_dma semaphore(%arg17 : memref<!tpu.dma_semaphore, #tpu.memory_space<semaphore_mem>>) src(%dma_wait3A_47 : memref<5000x128xf32, #tpu.memory_space<hbm>>) dst(%arg12 : memref<128x128xf32, #tpu.memory_space<vmem>>)
    %add3A_48 = arith.constant 0 : i32
    %add3A_49 = arith.addi %mul3A_2, %add3A_48 : i32
    %dma_start3A_50 = arith.constant 0 : i32
    %dma_start3A_51 = tpu.memref_slice %arg8[%add3A_49, %dma_start3A_50] : memref<20480x128xf32, #tpu.memory_space<hbm>> -> memref<128x128xf32, #tpu.memory_space<hbm>>
    %dma_start3A_52 = arith.constant 0 : i32
    %dma_start3A_53 = tpu.memref_slice %arg8[%add3A_49, %dma_start3A_52] : memref<20480x128xf32, #tpu.memory_space<hbm>> -> memref<128x128xf32, #tpu.memory_space<hbm>>
    tpu.enqueue_dma source(%arg12 : memref<128x128xf32, #tpu.memory_space<vmem>>) target(%dma_start3A_53 : memref<128x128xf32, #tpu.memory_space<hbm>>) target_semaphore(%arg19 : memref<!tpu.dma_semaphore, #tpu.memory_space<semaphore_mem>>)
    %dma_wait3A_54 = arith.constant 128 : i32
    %dma_wait3A_55 = tpu.memref_slice %arg10[%dma_wait3A_54] : memref<640xi32, #tpu.memory_space<vmem>> -> memref<128xi32, #tpu.memory_space<vmem>>
    %dma_wait3A_56 = arith.constant 0 : i32
    %dma_wait3A_57 = arith.constant 0 : i32
    %dma_wait3A_58 = tpu.memref_slice %arg2[%dma_wait3A_56, %dma_wait3A_57] : memref<5000x128xf32, #tpu.memory_space<hbm>> -> memref<5000x128xf32, #tpu.memory_space<hbm>>
    tpu.wait_indirect_dma semaphore(%arg16 : memref<!tpu.dma_semaphore, #tpu.memory_space<semaphore_mem>>) src(%dma_wait3A_58 : memref<5000x128xf32, #tpu.memory_space<hbm>>) dst(%arg13 : memref<128x128xf32, #tpu.memory_space<vmem>>)
    %dma_start3A_59 = arith.constant 128 : i32
    %dma_start3A_60 = tpu.memref_slice %arg11[%dma_start3A_59] : memref<640xi32, #tpu.memory_space<vmem>> -> memref<128xi32, #tpu.memory_space<vmem>>
    %dma_start3A_61 = arith.constant 0 : i32
    %dma_start3A_62 = arith.constant 0 : i32
    %dma_start3A_63 = tpu.memref_slice %arg3[%dma_start3A_61, %dma_start3A_62] : memref<5000x128xf32, #tpu.memory_space<hbm>> -> memref<5000x128xf32, #tpu.memory_space<hbm>>
    tpu.enqueue_indirect_dma source(%dma_start3A_63 : memref<5000x128xf32, #tpu.memory_space<hbm>>) target(%arg13 : memref<128x128xf32, #tpu.memory_space<vmem>>) offsets(%dma_start3A_60 : memref<128xi32, #tpu.memory_space<vmem>>) semaphore(%arg18 : memref<!tpu.dma_semaphore, #tpu.memory_space<semaphore_mem>>) {add = true}
    %dma_start3A_64 = arith.constant 128 : i32
    %dma_start3A_65 = tpu.memref_slice %arg9[%dma_start3A_64] : memref<640xi32, #tpu.memory_space<vmem>> -> memref<128xi32, #tpu.memory_space<vmem>>
    %dma_start3A_66 = arith.constant 0 : i32
    %dma_start3A_67 = arith.constant 0 : i32
    %dma_start3A_68 = tpu.memref_slice %arg4[%dma_start3A_66, %dma_start3A_67] : memref<5000x128xf32, #tpu.memory_space<hbm>> -> memref<5000x128xf32, #tpu.memory_space<hbm>>
    tpu.enqueue_indirect_dma source(%dma_start3A_68 : memref<5000x128xf32, #tpu.memory_space<hbm>>) target(%arg13 : memref<128x128xf32, #tpu.memory_space<vmem>>) offsets(%dma_start3A_65 : memref<128xi32, #tpu.memory_space<vmem>>) semaphore(%arg18 : memref<!tpu.dma_semaphore, #tpu.memory_space<semaphore_mem>>) {add = true}
    %dma_wait3A_69 = arith.constant 0 : i32
    %dma_wait3A_70 = tpu.memref_slice %arg8[%add3A_49, %dma_wait3A_69] : memref<20480x128xf32, #tpu.memory_space<hbm>> -> memref<128x128xf32, #tpu.memory_space<hbm>>
    %dma_wait3A_71 = arith.constant 0 : i32
    %dma_wait3A_72 = tpu.memref_slice %arg8[%add3A_49, %dma_wait3A_71] : memref<20480x128xf32, #tpu.memory_space<hbm>> -> memref<128x128xf32, #tpu.memory_space<hbm>>
    tpu.wait_dma2 semaphore(%arg19 : memref<!tpu.dma_semaphore, #tpu.memory_space<semaphore_mem>>) src(%arg12 : memref<128x128xf32, #tpu.memory_space<vmem>>) dst(%dma_wait3A_72 : memref<128x128xf32, #tpu.memory_space<hbm>>)
    %dma_start3A_73 = arith.constant 256 : i32
    %dma_start3A_74 = tpu.memref_slice %arg10[%dma_start3A_73] : memref<640xi32, #tpu.memory_space<vmem>> -> memref<128xi32, #tpu.memory_space<vmem>>
    %dma_start3A_75 = arith.constant 0 : i32
    %dma_start3A_76 = arith.constant 0 : i32
    %dma_start3A_77 = tpu.memref_slice %arg2[%dma_start3A_75, %dma_start3A_76] : memref<5000x128xf32, #tpu.memory_space<hbm>> -> memref<5000x128xf32, #tpu.memory_space<hbm>>
    tpu.enqueue_indirect_dma source(%dma_start3A_77 : memref<5000x128xf32, #tpu.memory_space<hbm>>) target(%arg12 : memref<128x128xf32, #tpu.memory_space<vmem>>) offsets(%dma_start3A_74 : memref<128xi32, #tpu.memory_space<vmem>>) semaphore(%arg15 : memref<!tpu.dma_semaphore, #tpu.memory_space<semaphore_mem>>)
    %dma_wait3A_78 = arith.constant 128 : i32
    %dma_wait3A_79 = tpu.memref_slice %arg11[%dma_wait3A_78] : memref<640xi32, #tpu.memory_space<vmem>> -> memref<128xi32, #tpu.memory_space<vmem>>
    %dma_wait3A_80 = arith.constant 0 : i32
    %dma_wait3A_81 = arith.constant 0 : i32
    %dma_wait3A_82 = tpu.memref_slice %arg3[%dma_wait3A_80, %dma_wait3A_81] : memref<5000x128xf32, #tpu.memory_space<hbm>> -> memref<5000x128xf32, #tpu.memory_space<hbm>>
    tpu.wait_indirect_dma semaphore(%arg18 : memref<!tpu.dma_semaphore, #tpu.memory_space<semaphore_mem>>) src(%dma_wait3A_82 : memref<5000x128xf32, #tpu.memory_space<hbm>>) dst(%arg13 : memref<128x128xf32, #tpu.memory_space<vmem>>)
    %dma_wait3A_83 = arith.constant 128 : i32
    %dma_wait3A_84 = tpu.memref_slice %arg9[%dma_wait3A_83] : memref<640xi32, #tpu.memory_space<vmem>> -> memref<128xi32, #tpu.memory_space<vmem>>
    %dma_wait3A_85 = arith.constant 0 : i32
    %dma_wait3A_86 = arith.constant 0 : i32
    %dma_wait3A_87 = tpu.memref_slice %arg4[%dma_wait3A_85, %dma_wait3A_86] : memref<5000x128xf32, #tpu.memory_space<hbm>> -> memref<5000x128xf32, #tpu.memory_space<hbm>>
    tpu.wait_indirect_dma semaphore(%arg18 : memref<!tpu.dma_semaphore, #tpu.memory_space<semaphore_mem>>) src(%dma_wait3A_87 : memref<5000x128xf32, #tpu.memory_space<hbm>>) dst(%arg13 : memref<128x128xf32, #tpu.memory_space<vmem>>)
    %add3A_88 = arith.constant 128 : i32
    %add3A_89 = arith.addi %mul3A_2, %add3A_88 : i32
    %dma_start3A_90 = arith.constant 0 : i32
    %dma_start3A_91 = tpu.memref_slice %arg8[%add3A_89, %dma_start3A_90] : memref<20480x128xf32, #tpu.memory_space<hbm>> -> memref<128x128xf32, #tpu.memory_space<hbm>>
    %dma_start3A_92 = arith.constant 0 : i32
    %dma_start3A_93 = tpu.memref_slice %arg8[%add3A_89, %dma_start3A_92] : memref<20480x128xf32, #tpu.memory_space<hbm>> -> memref<128x128xf32, #tpu.memory_space<hbm>>
    tpu.enqueue_dma source(%arg13 : memref<128x128xf32, #tpu.memory_space<vmem>>) target(%dma_start3A_93 : memref<128x128xf32, #tpu.memory_space<hbm>>) target_semaphore(%arg20 : memref<!tpu.dma_semaphore, #tpu.memory_space<semaphore_mem>>)
    %dma_wait3A_94 = arith.constant 256 : i32
    %dma_wait3A_95 = tpu.memref_slice %arg10[%dma_wait3A_94] : memref<640xi32, #tpu.memory_space<vmem>> -> memref<128xi32, #tpu.memory_space<vmem>>
    %dma_wait3A_96 = arith.constant 0 : i32
    %dma_wait3A_97 = arith.constant 0 : i32
    %dma_wait3A_98 = tpu.memref_slice %arg2[%dma_wait3A_96, %dma_wait3A_97] : memref<5000x128xf32, #tpu.memory_space<hbm>> -> memref<5000x128xf32, #tpu.memory_space<hbm>>
    tpu.wait_indirect_dma semaphore(%arg15 : memref<!tpu.dma_semaphore, #tpu.memory_space<semaphore_mem>>) src(%dma_wait3A_98 : memref<5000x128xf32, #tpu.memory_space<hbm>>) dst(%arg12 : memref<128x128xf32, #tpu.memory_space<vmem>>)
    %dma_start3A_99 = arith.constant 256 : i32
    %dma_start3A_100 = tpu.memref_slice %arg11[%dma_start3A_99] : memref<640xi32, #tpu.memory_space<vmem>> -> memref<128xi32, #tpu.memory_space<vmem>>
    %dma_start3A_101 = arith.constant 0 : i32
    %dma_start3A_102 = arith.constant 0 : i32
    %dma_start3A_103 = tpu.memref_slice %arg3[%dma_start3A_101, %dma_start3A_102] : memref<5000x128xf32, #tpu.memory_space<hbm>> -> memref<5000x128xf32, #tpu.memory_space<hbm>>
    tpu.enqueue_indirect_dma source(%dma_start3A_103 : memref<5000x128xf32, #tpu.memory_space<hbm>>) target(%arg12 : memref<128x128xf32, #tpu.memory_space<vmem>>) offsets(%dma_start3A_100 : memref<128xi32, #tpu.memory_space<vmem>>) semaphore(%arg17 : memref<!tpu.dma_semaphore, #tpu.memory_space<semaphore_mem>>) {add = true}
    %dma_start3A_104 = arith.constant 256 : i32
    %dma_start3A_105 = tpu.memref_slice %arg9[%dma_start3A_104] : memref<640xi32, #tpu.memory_space<vmem>> -> memref<128xi32, #tpu.memory_space<vmem>>
    %dma_start3A_106 = arith.constant 0 : i32
    %dma_start3A_107 = arith.constant 0 : i32
    %dma_start3A_108 = tpu.memref_slice %arg4[%dma_start3A_106, %dma_start3A_107] : memref<5000x128xf32, #tpu.memory_space<hbm>> -> memref<5000x128xf32, #tpu.memory_space<hbm>>
    tpu.enqueue_indirect_dma source(%dma_start3A_108 : memref<5000x128xf32, #tpu.memory_space<hbm>>) target(%arg12 : memref<128x128xf32, #tpu.memory_space<vmem>>) offsets(%dma_start3A_105 : memref<128xi32, #tpu.memory_space<vmem>>) semaphore(%arg17 : memref<!tpu.dma_semaphore, #tpu.memory_space<semaphore_mem>>) {add = true}
    %dma_wait3A_109 = arith.constant 0 : i32
    %dma_wait3A_110 = tpu.memref_slice %arg8[%add3A_89, %dma_wait3A_109] : memref<20480x128xf32, #tpu.memory_space<hbm>> -> memref<128x128xf32, #tpu.memory_space<hbm>>
    %dma_wait3A_111 = arith.constant 0 : i32
    %dma_wait3A_112 = tpu.memref_slice %arg8[%add3A_89, %dma_wait3A_111] : memref<20480x128xf32, #tpu.memory_space<hbm>> -> memref<128x128xf32, #tpu.memory_space<hbm>>
    tpu.wait_dma2 semaphore(%arg20 : memref<!tpu.dma_semaphore, #tpu.memory_space<semaphore_mem>>) src(%arg13 : memref<128x128xf32, #tpu.memory_space<vmem>>) dst(%dma_wait3A_112 : memref<128x128xf32, #tpu.memory_space<hbm>>)
    %dma_start3A_113 = arith.constant 384 : i32
    %dma_start3A_114 = tpu.memref_slice %arg10[%dma_start3A_113] : memref<640xi32, #tpu.memory_space<vmem>> -> memref<128xi32, #tpu.memory_space<vmem>>
    %dma_start3A_115 = arith.constant 0 : i32
    %dma_start3A_116 = arith.constant 0 : i32
    %dma_start3A_117 = tpu.memref_slice %arg2[%dma_start3A_115, %dma_start3A_116] : memref<5000x128xf32, #tpu.memory_space<hbm>> -> memref<5000x128xf32, #tpu.memory_space<hbm>>
    tpu.enqueue_indirect_dma source(%dma_start3A_117 : memref<5000x128xf32, #tpu.memory_space<hbm>>) target(%arg13 : memref<128x128xf32, #tpu.memory_space<vmem>>) offsets(%dma_start3A_114 : memref<128xi32, #tpu.memory_space<vmem>>) semaphore(%arg16 : memref<!tpu.dma_semaphore, #tpu.memory_space<semaphore_mem>>)
    %dma_wait3A_118 = arith.constant 256 : i32
    %dma_wait3A_119 = tpu.memref_slice %arg11[%dma_wait3A_118] : memref<640xi32, #tpu.memory_space<vmem>> -> memref<128xi32, #tpu.memory_space<vmem>>
    %dma_wait3A_120 = arith.constant 0 : i32
    %dma_wait3A_121 = arith.constant 0 : i32
    %dma_wait3A_122 = tpu.memref_slice %arg3[%dma_wait3A_120, %dma_wait3A_121] : memref<5000x128xf32, #tpu.memory_space<hbm>> -> memref<5000x128xf32, #tpu.memory_space<hbm>>
    tpu.wait_indirect_dma semaphore(%arg17 : memref<!tpu.dma_semaphore, #tpu.memory_space<semaphore_mem>>) src(%dma_wait3A_122 : memref<5000x128xf32, #tpu.memory_space<hbm>>) dst(%arg12 : memref<128x128xf32, #tpu.memory_space<vmem>>)
    %dma_wait3A_123 = arith.constant 256 : i32
    %dma_wait3A_124 = tpu.memref_slice %arg9[%dma_wait3A_123] : memref<640xi32, #tpu.memory_space<vmem>> -> memref<128xi32, #tpu.memory_space<vmem>>
    %dma_wait3A_125 = arith.constant 0 : i32
    %dma_wait3A_126 = arith.constant 0 : i32
    %dma_wait3A_127 = tpu.memref_slice %arg4[%dma_wait3A_125, %dma_wait3A_126] : memref<5000x128xf32, #tpu.memory_space<hbm>> -> memref<5000x128xf32, #tpu.memory_space<hbm>>
    tpu.wait_indirect_dma semaphore(%arg17 : memref<!tpu.dma_semaphore, #tpu.memory_space<semaphore_mem>>) src(%dma_wait3A_127 : memref<5000x128xf32, #tpu.memory_space<hbm>>) dst(%arg12 : memref<128x128xf32, #tpu.memory_space<vmem>>)
    %add3A_128 = arith.constant 256 : i32
    %add3A_129 = arith.addi %mul3A_2, %add3A_128 : i32
    %dma_start3A_130 = arith.constant 0 : i32
    %dma_start3A_131 = tpu.memref_slice %arg8[%add3A_129, %dma_start3A_130] : memref<20480x128xf32, #tpu.memory_space<hbm>> -> memref<128x128xf32, #tpu.memory_space<hbm>>
    %dma_start3A_132 = arith.constant 0 : i32
    %dma_start3A_133 = tpu.memref_slice %arg8[%add3A_129, %dma_start3A_132] : memref<20480x128xf32, #tpu.memory_space<hbm>> -> memref<128x128xf32, #tpu.memory_space<hbm>>
    tpu.enqueue_dma source(%arg12 : memref<128x128xf32, #tpu.memory_space<vmem>>) target(%dma_start3A_133 : memref<128x128xf32, #tpu.memory_space<hbm>>) target_semaphore(%arg19 : memref<!tpu.dma_semaphore, #tpu.memory_space<semaphore_mem>>)
    %dma_wait3A_134 = arith.constant 384 : i32
    %dma_wait3A_135 = tpu.memref_slice %arg10[%dma_wait3A_134] : memref<640xi32, #tpu.memory_space<vmem>> -> memref<128xi32, #tpu.memory_space<vmem>>
    %dma_wait3A_136 = arith.constant 0 : i32
    %dma_wait3A_137 = arith.constant 0 : i32
    %dma_wait3A_138 = tpu.memref_slice %arg2[%dma_wait3A_136, %dma_wait3A_137] : memref<5000x128xf32, #tpu.memory_space<hbm>> -> memref<5000x128xf32, #tpu.memory_space<hbm>>
    tpu.wait_indirect_dma semaphore(%arg16 : memref<!tpu.dma_semaphore, #tpu.memory_space<semaphore_mem>>) src(%dma_wait3A_138 : memref<5000x128xf32, #tpu.memory_space<hbm>>) dst(%arg13 : memref<128x128xf32, #tpu.memory_space<vmem>>)
    %dma_start3A_139 = arith.constant 384 : i32
    %dma_start3A_140 = tpu.memref_slice %arg11[%dma_start3A_139] : memref<640xi32, #tpu.memory_space<vmem>> -> memref<128xi32, #tpu.memory_space<vmem>>
    %dma_start3A_141 = arith.constant 0 : i32
    %dma_start3A_142 = arith.constant 0 : i32
    %dma_start3A_143 = tpu.memref_slice %arg3[%dma_start3A_141, %dma_start3A_142] : memref<5000x128xf32, #tpu.memory_space<hbm>> -> memref<5000x128xf32, #tpu.memory_space<hbm>>
    tpu.enqueue_indirect_dma source(%dma_start3A_143 : memref<5000x128xf32, #tpu.memory_space<hbm>>) target(%arg13 : memref<128x128xf32, #tpu.memory_space<vmem>>) offsets(%dma_start3A_140 : memref<128xi32, #tpu.memory_space<vmem>>) semaphore(%arg18 : memref<!tpu.dma_semaphore, #tpu.memory_space<semaphore_mem>>) {add = true}
    %dma_start3A_144 = arith.constant 384 : i32
    %dma_start3A_145 = tpu.memref_slice %arg9[%dma_start3A_144] : memref<640xi32, #tpu.memory_space<vmem>> -> memref<128xi32, #tpu.memory_space<vmem>>
    %dma_start3A_146 = arith.constant 0 : i32
    %dma_start3A_147 = arith.constant 0 : i32
    %dma_start3A_148 = tpu.memref_slice %arg4[%dma_start3A_146, %dma_start3A_147] : memref<5000x128xf32, #tpu.memory_space<hbm>> -> memref<5000x128xf32, #tpu.memory_space<hbm>>
    tpu.enqueue_indirect_dma source(%dma_start3A_148 : memref<5000x128xf32, #tpu.memory_space<hbm>>) target(%arg13 : memref<128x128xf32, #tpu.memory_space<vmem>>) offsets(%dma_start3A_145 : memref<128xi32, #tpu.memory_space<vmem>>) semaphore(%arg18 : memref<!tpu.dma_semaphore, #tpu.memory_space<semaphore_mem>>) {add = true}
    %dma_wait3A_149 = arith.constant 0 : i32
    %dma_wait3A_150 = tpu.memref_slice %arg8[%add3A_129, %dma_wait3A_149] : memref<20480x128xf32, #tpu.memory_space<hbm>> -> memref<128x128xf32, #tpu.memory_space<hbm>>
    %dma_wait3A_151 = arith.constant 0 : i32
    %dma_wait3A_152 = tpu.memref_slice %arg8[%add3A_129, %dma_wait3A_151] : memref<20480x128xf32, #tpu.memory_space<hbm>> -> memref<128x128xf32, #tpu.memory_space<hbm>>
    tpu.wait_dma2 semaphore(%arg19 : memref<!tpu.dma_semaphore, #tpu.memory_space<semaphore_mem>>) src(%arg12 : memref<128x128xf32, #tpu.memory_space<vmem>>) dst(%dma_wait3A_152 : memref<128x128xf32, #tpu.memory_space<hbm>>)
    %dma_start3A_153 = arith.constant 512 : i32
    %dma_start3A_154 = tpu.memref_slice %arg10[%dma_start3A_153] : memref<640xi32, #tpu.memory_space<vmem>> -> memref<128xi32, #tpu.memory_space<vmem>>
    %dma_start3A_155 = arith.constant 0 : i32
    %dma_start3A_156 = arith.constant 0 : i32
    %dma_start3A_157 = tpu.memref_slice %arg2[%dma_start3A_155, %dma_start3A_156] : memref<5000x128xf32, #tpu.memory_space<hbm>> -> memref<5000x128xf32, #tpu.memory_space<hbm>>
    tpu.enqueue_indirect_dma source(%dma_start3A_157 : memref<5000x128xf32, #tpu.memory_space<hbm>>) target(%arg12 : memref<128x128xf32, #tpu.memory_space<vmem>>) offsets(%dma_start3A_154 : memref<128xi32, #tpu.memory_space<vmem>>) semaphore(%arg15 : memref<!tpu.dma_semaphore, #tpu.memory_space<semaphore_mem>>)
    %dma_wait3A_158 = arith.constant 384 : i32
    %dma_wait3A_159 = tpu.memref_slice %arg11[%dma_wait3A_158] : memref<640xi32, #tpu.memory_space<vmem>> -> memref<128xi32, #tpu.memory_space<vmem>>
    %dma_wait3A_160 = arith.constant 0 : i32
    %dma_wait3A_161 = arith.constant 0 : i32
    %dma_wait3A_162 = tpu.memref_slice %arg3[%dma_wait3A_160, %dma_wait3A_161] : memref<5000x128xf32, #tpu.memory_space<hbm>> -> memref<5000x128xf32, #tpu.memory_space<hbm>>
    tpu.wait_indirect_dma semaphore(%arg18 : memref<!tpu.dma_semaphore, #tpu.memory_space<semaphore_mem>>) src(%dma_wait3A_162 : memref<5000x128xf32, #tpu.memory_space<hbm>>) dst(%arg13 : memref<128x128xf32, #tpu.memory_space<vmem>>)
    %dma_wait3A_163 = arith.constant 384 : i32
    %dma_wait3A_164 = tpu.memref_slice %arg9[%dma_wait3A_163] : memref<640xi32, #tpu.memory_space<vmem>> -> memref<128xi32, #tpu.memory_space<vmem>>
    %dma_wait3A_165 = arith.constant 0 : i32
    %dma_wait3A_166 = arith.constant 0 : i32
    %dma_wait3A_167 = tpu.memref_slice %arg4[%dma_wait3A_165, %dma_wait3A_166] : memref<5000x128xf32, #tpu.memory_space<hbm>> -> memref<5000x128xf32, #tpu.memory_space<hbm>>
    tpu.wait_indirect_dma semaphore(%arg18 : memref<!tpu.dma_semaphore, #tpu.memory_space<semaphore_mem>>) src(%dma_wait3A_167 : memref<5000x128xf32, #tpu.memory_space<hbm>>) dst(%arg13 : memref<128x128xf32, #tpu.memory_space<vmem>>)
    %add3A_168 = arith.constant 384 : i32
    %add3A_169 = arith.addi %mul3A_2, %add3A_168 : i32
    %dma_start3A_170 = arith.constant 0 : i32
    %dma_start3A_171 = tpu.memref_slice %arg8[%add3A_169, %dma_start3A_170] : memref<20480x128xf32, #tpu.memory_space<hbm>> -> memref<128x128xf32, #tpu.memory_space<hbm>>
    %dma_start3A_172 = arith.constant 0 : i32
    %dma_start3A_173 = tpu.memref_slice %arg8[%add3A_169, %dma_start3A_172] : memref<20480x128xf32, #tpu.memory_space<hbm>> -> memref<128x128xf32, #tpu.memory_space<hbm>>
    tpu.enqueue_dma source(%arg13 : memref<128x128xf32, #tpu.memory_space<vmem>>) target(%dma_start3A_173 : memref<128x128xf32, #tpu.memory_space<hbm>>) target_semaphore(%arg20 : memref<!tpu.dma_semaphore, #tpu.memory_space<semaphore_mem>>)
    %dma_wait3A_174 = arith.constant 512 : i32
    %dma_wait3A_175 = tpu.memref_slice %arg10[%dma_wait3A_174] : memref<640xi32, #tpu.memory_space<vmem>> -> memref<128xi32, #tpu.memory_space<vmem>>
    %dma_wait3A_176 = arith.constant 0 : i32
    %dma_wait3A_177 = arith.constant 0 : i32
    %dma_wait3A_178 = tpu.memref_slice %arg2[%dma_wait3A_176, %dma_wait3A_177] : memref<5000x128xf32, #tpu.memory_space<hbm>> -> memref<5000x128xf32, #tpu.memory_space<hbm>>
    tpu.wait_indirect_dma semaphore(%arg15 : memref<!tpu.dma_semaphore, #tpu.memory_space<semaphore_mem>>) src(%dma_wait3A_178 : memref<5000x128xf32, #tpu.memory_space<hbm>>) dst(%arg12 : memref<128x128xf32, #tpu.memory_space<vmem>>)
    %dma_start3A_179 = arith.constant 512 : i32
    %dma_start3A_180 = tpu.memref_slice %arg11[%dma_start3A_179] : memref<640xi32, #tpu.memory_space<vmem>> -> memref<128xi32, #tpu.memory_space<vmem>>
    %dma_start3A_181 = arith.constant 0 : i32
    %dma_start3A_182 = arith.constant 0 : i32
    %dma_start3A_183 = tpu.memref_slice %arg3[%dma_start3A_181, %dma_start3A_182] : memref<5000x128xf32, #tpu.memory_space<hbm>> -> memref<5000x128xf32, #tpu.memory_space<hbm>>
    tpu.enqueue_indirect_dma source(%dma_start3A_183 : memref<5000x128xf32, #tpu.memory_space<hbm>>) target(%arg12 : memref<128x128xf32, #tpu.memory_space<vmem>>) offsets(%dma_start3A_180 : memref<128xi32, #tpu.memory_space<vmem>>) semaphore(%arg17 : memref<!tpu.dma_semaphore, #tpu.memory_space<semaphore_mem>>) {add = true}
    %dma_start3A_184 = arith.constant 512 : i32
    %dma_start3A_185 = tpu.memref_slice %arg9[%dma_start3A_184] : memref<640xi32, #tpu.memory_space<vmem>> -> memref<128xi32, #tpu.memory_space<vmem>>
    %dma_start3A_186 = arith.constant 0 : i32
    %dma_start3A_187 = arith.constant 0 : i32
    %dma_start3A_188 = tpu.memref_slice %arg4[%dma_start3A_186, %dma_start3A_187] : memref<5000x128xf32, #tpu.memory_space<hbm>> -> memref<5000x128xf32, #tpu.memory_space<hbm>>
    tpu.enqueue_indirect_dma source(%dma_start3A_188 : memref<5000x128xf32, #tpu.memory_space<hbm>>) target(%arg12 : memref<128x128xf32, #tpu.memory_space<vmem>>) offsets(%dma_start3A_185 : memref<128xi32, #tpu.memory_space<vmem>>) semaphore(%arg17 : memref<!tpu.dma_semaphore, #tpu.memory_space<semaphore_mem>>) {add = true}
    %dma_wait3A_189 = arith.constant 512 : i32
    %dma_wait3A_190 = tpu.memref_slice %arg11[%dma_wait3A_189] : memref<640xi32, #tpu.memory_space<vmem>> -> memref<128xi32, #tpu.memory_space<vmem>>
    %dma_wait3A_191 = arith.constant 0 : i32
    %dma_wait3A_192 = arith.constant 0 : i32
    %dma_wait3A_193 = tpu.memref_slice %arg3[%dma_wait3A_191, %dma_wait3A_192] : memref<5000x128xf32, #tpu.memory_space<hbm>> -> memref<5000x128xf32, #tpu.memory_space<hbm>>
    tpu.wait_indirect_dma semaphore(%arg17 : memref<!tpu.dma_semaphore, #tpu.memory_space<semaphore_mem>>) src(%dma_wait3A_193 : memref<5000x128xf32, #tpu.memory_space<hbm>>) dst(%arg12 : memref<128x128xf32, #tpu.memory_space<vmem>>)
    %dma_wait3A_194 = arith.constant 512 : i32
    %dma_wait3A_195 = tpu.memref_slice %arg9[%dma_wait3A_194] : memref<640xi32, #tpu.memory_space<vmem>> -> memref<128xi32, #tpu.memory_space<vmem>>
    %dma_wait3A_196 = arith.constant 0 : i32
    %dma_wait3A_197 = arith.constant 0 : i32
    %dma_wait3A_198 = tpu.memref_slice %arg4[%dma_wait3A_196, %dma_wait3A_197] : memref<5000x128xf32, #tpu.memory_space<hbm>> -> memref<5000x128xf32, #tpu.memory_space<hbm>>
    tpu.wait_indirect_dma semaphore(%arg17 : memref<!tpu.dma_semaphore, #tpu.memory_space<semaphore_mem>>) src(%dma_wait3A_198 : memref<5000x128xf32, #tpu.memory_space<hbm>>) dst(%arg12 : memref<128x128xf32, #tpu.memory_space<vmem>>)
    %add3A_199 = arith.constant 512 : i32
    %add3A_200 = arith.addi %mul3A_2, %add3A_199 : i32
    %dma_start3A_201 = arith.constant 0 : i32
    %dma_start3A_202 = tpu.memref_slice %arg8[%add3A_200, %dma_start3A_201] : memref<20480x128xf32, #tpu.memory_space<hbm>> -> memref<128x128xf32, #tpu.memory_space<hbm>>
    %dma_start3A_203 = arith.constant 0 : i32
    %dma_start3A_204 = tpu.memref_slice %arg8[%add3A_200, %dma_start3A_203] : memref<20480x128xf32, #tpu.memory_space<hbm>> -> memref<128x128xf32, #tpu.memory_space<hbm>>
    tpu.enqueue_dma source(%arg12 : memref<128x128xf32, #tpu.memory_space<vmem>>) target(%dma_start3A_204 : memref<128x128xf32, #tpu.memory_space<hbm>>) target_semaphore(%arg19 : memref<!tpu.dma_semaphore, #tpu.memory_space<semaphore_mem>>)
    %dma_wait3A_205 = arith.constant 0 : i32
    %dma_wait3A_206 = tpu.memref_slice %arg8[%add3A_200, %dma_wait3A_205] : memref<20480x128xf32, #tpu.memory_space<hbm>> -> memref<128x128xf32, #tpu.memory_space<hbm>>
    %dma_wait3A_207 = arith.constant 0 : i32
    %dma_wait3A_208 = tpu.memref_slice %arg8[%add3A_200, %dma_wait3A_207] : memref<20480x128xf32, #tpu.memory_space<hbm>> -> memref<128x128xf32, #tpu.memory_space<hbm>>
    tpu.wait_dma2 semaphore(%arg19 : memref<!tpu.dma_semaphore, #tpu.memory_space<semaphore_mem>>) src(%arg12 : memref<128x128xf32, #tpu.memory_space<vmem>>) dst(%dma_wait3A_208 : memref<128x128xf32, #tpu.memory_space<hbm>>)
    %dma_wait3A_209 = arith.constant 0 : i32
    %dma_wait3A_210 = tpu.memref_slice %arg8[%add3A_169, %dma_wait3A_209] : memref<20480x128xf32, #tpu.memory_space<hbm>> -> memref<128x128xf32, #tpu.memory_space<hbm>>
    %dma_wait3A_211 = arith.constant 0 : i32
    %dma_wait3A_212 = tpu.memref_slice %arg8[%add3A_169, %dma_wait3A_211] : memref<20480x128xf32, #tpu.memory_space<hbm>> -> memref<128x128xf32, #tpu.memory_space<hbm>>
    tpu.wait_dma2 semaphore(%arg20 : memref<!tpu.dma_semaphore, #tpu.memory_space<semaphore_mem>>) src(%arg13 : memref<128x128xf32, #tpu.memory_space<vmem>>) dst(%dma_wait3A_212 : memref<128x128xf32, #tpu.memory_space<hbm>>)
    return
  }
}

module attributes {stable_mosaic.version = 14 : i64} {
  func.func @_tables_body(%arg0: i32, %arg1: memref<1000x1024xf32, #tpu.memory_space<vmem>>, %arg2: memref<1000x1024xf32, #tpu.memory_space<vmem>>, %arg3: memref<1024x256xf32, #tpu.memory_space<vmem>>, %arg4: memref<1024x128xf32, #tpu.memory_space<vmem>>, %arg5: memref<1000x128xf32, #tpu.memory_space<vmem>>, %arg6: memref<1000x128xf32, #tpu.memory_space<vmem>>, %arg7: memref<1000x128xf32, #tpu.memory_space<vmem>>) attributes {dimension_semantics = [#tpu.dimension_semantics<arbitrary>], iteration_bounds = array<i64: 5>, scalar_prefetch = 0 : i64, scratch_operands = 0 : i64, tpu.core_type = #tpu.core_type<tc>, window_params = [{transform_indices = @transform_0, window_bounds = array<i64: 1000, 1024>}, {transform_indices = @transform_1, window_bounds = array<i64: 1000, 1024>}, {pipeline_mode = #tpu.pipeline_mode<synchronous>, transform_indices = @transform_2, window_bounds = array<i64: 1024, 256>}, {pipeline_mode = #tpu.pipeline_mode<synchronous>, transform_indices = @transform_3, window_bounds = array<i64: 1024, 128>}, {transform_indices = @transform_4, window_bounds = array<i64: 1000, 128>}, {transform_indices = @transform_5, window_bounds = array<i64: 1000, 128>}, {transform_indices = @transform_6, window_bounds = array<i64: 1000, 128>}]} {
    %get3A = arith.constant 0 : index
    %get3A_0 = arith.constant 0 : index
    %get3A_1 = vector.load %arg1[%get3A, %get3A_0] : memref<1000x1024xf32, #tpu.memory_space<vmem>>, vector<1000x1024xf32>
    %get3A_2 = arith.constant 0 : index
    %get3A_3 = arith.constant 0 : index
    %get3A_4 = vector.load %arg3[%get3A_2, %get3A_3] : memref<1024x256xf32, #tpu.memory_space<vmem>>, vector<1024x256xf32>
    %dot_general3A = arith.constant dense<0.000000e+00> : vector<1000x256xf32>
    %dot_general3A_5 = tpu.matmul %get3A_1, %get3A_4, %dot_general3A {dimension_numbers = #tpu.dot_dimension_numbers<[1], [0], [0], [1], [0, 0, 1, 1], [], []>, transpose_lhs_hint = false} : vector<1000x1024xf32>, vector<1024x256xf32>, vector<1000x256xf32> -> vector<1000x256xf32>
    %slice3A = vector.extract_strided_slice %dot_general3A_5 {offsets = [0, 0], sizes = [1000, 128], strides = [1, 1]} : vector<1000x256xf32> to vector<1000x128xf32>
    %swap3A = arith.constant 0 : index
    %swap3A_6 = arith.constant 0 : index
    %swap3A_7 = vector.load %arg5[%swap3A, %swap3A_6] : memref<1000x128xf32, #tpu.memory_space<vmem>>, vector<1000x128xf32>
    tpu.vector_store %arg5[%swap3A, %swap3A_6], %slice3A {strides = array<i32>} : memref<1000x128xf32, #tpu.memory_space<vmem>>, vector<1000x128xf32>,
    %slice3A_8 = vector.extract_strided_slice %dot_general3A_5 {offsets = [0, 128], sizes = [1000, 128], strides = [1, 1]} : vector<1000x256xf32> to vector<1000x128xf32>
    %swap3A_9 = arith.constant 0 : index
    %swap3A_10 = arith.constant 0 : index
    %swap3A_11 = vector.load %arg6[%swap3A_9, %swap3A_10] : memref<1000x128xf32, #tpu.memory_space<vmem>>, vector<1000x128xf32>
    tpu.vector_store %arg6[%swap3A_9, %swap3A_10], %slice3A_8 {strides = array<i32>} : memref<1000x128xf32, #tpu.memory_space<vmem>>, vector<1000x128xf32>,
    %get3A_12 = arith.constant 0 : index
    %get3A_13 = arith.constant 0 : index
    %get3A_14 = vector.load %arg2[%get3A_12, %get3A_13] : memref<1000x1024xf32, #tpu.memory_space<vmem>>, vector<1000x1024xf32>
    %get3A_15 = arith.constant 0 : index
    %get3A_16 = arith.constant 0 : index
    %get3A_17 = vector.load %arg4[%get3A_15, %get3A_16] : memref<1024x128xf32, #tpu.memory_space<vmem>>, vector<1024x128xf32>
    %dot_general3A_18 = arith.constant dense<0.000000e+00> : vector<1000x128xf32>
    %dot_general3A_19 = tpu.matmul %get3A_14, %get3A_17, %dot_general3A_18 {dimension_numbers = #tpu.dot_dimension_numbers<[1], [0], [0], [1], [0, 0, 1, 1], [], []>, transpose_lhs_hint = false} : vector<1000x1024xf32>, vector<1024x128xf32>, vector<1000x128xf32> -> vector<1000x128xf32>
    %swap3A_20 = arith.constant 0 : index
    %swap3A_21 = arith.constant 0 : index
    %swap3A_22 = vector.load %arg7[%swap3A_20, %swap3A_21] : memref<1000x128xf32, #tpu.memory_space<vmem>>, vector<1000x128xf32>
    tpu.vector_store %arg7[%swap3A_20, %swap3A_21], %dot_general3A_19 {strides = array<i32>} : memref<1000x128xf32, #tpu.memory_space<vmem>>, vector<1000x128xf32>,
    return
  }
  func.func @transform_0(%arg0: i32) -> (i32, i32) {
    %c0_i32 = arith.constant 0 : i32
    %c0_i32_0 = arith.constant 0 : i32
    return %arg0, %c0_i32 : i32, i32
  }
  func.func @transform_1(%arg0: i32) -> (i32, i32) {
    %c0_i32 = arith.constant 0 : i32
    %c0_i32_0 = arith.constant 0 : i32
    return %arg0, %c0_i32 : i32, i32
  }
  func.func @transform_2(%arg0: i32) -> (i32, i32) {
    %c0_i32 = arith.constant 0 : i32
    %c0_i32_0 = arith.constant 0 : i32
    %c0_i32_1 = arith.constant 0 : i32
    return %c0_i32, %c0_i32_0 : i32, i32
  }
  func.func @transform_3(%arg0: i32) -> (i32, i32) {
    %c0_i32 = arith.constant 0 : i32
    %c0_i32_0 = arith.constant 0 : i32
    %c0_i32_1 = arith.constant 0 : i32
    return %c0_i32, %c0_i32_0 : i32, i32
  }
  func.func @transform_4(%arg0: i32) -> (i32, i32) {
    %c0_i32 = arith.constant 0 : i32
    %c0_i32_0 = arith.constant 0 : i32
    return %arg0, %c0_i32 : i32, i32
  }
  func.func @transform_5(%arg0: i32) -> (i32, i32) {
    %c0_i32 = arith.constant 0 : i32
    %c0_i32_0 = arith.constant 0 : i32
    return %arg0, %c0_i32 : i32, i32
  }
  func.func @transform_6(%arg0: i32) -> (i32, i32) {
    %c0_i32 = arith.constant 0 : i32
    %c0_i32_0 = arith.constant 0 : i32
    return %arg0, %c0_i32 : i32, i32
  }
}

module attributes {stable_mosaic.version = 14 : i64} {
  func.func @_argmax_body(%arg0: i32, %arg1: memref<1000x151xf32, #tpu.memory_space<vmem>>, %arg2: memref<1000x1xi32, #tpu.memory_space<vmem>>) attributes {dimension_semantics = [#tpu.dimension_semantics<arbitrary>], iteration_bounds = array<i64: 5>, scalar_prefetch = 0 : i64, scratch_operands = 0 : i64, tpu.core_type = #tpu.core_type<tc>, window_params = [{transform_indices = @transform_0, window_bounds = array<i64: 1000, 151>}, {transform_indices = @transform_1, window_bounds = array<i64: 1000, 1>}]} {
    %get3A = arith.constant 0 : index
    %get3A_0 = arith.constant 0 : index
    %get3A_1 = vector.load %arg1[%get3A, %get3A_0] : memref<1000x151xf32, #tpu.memory_space<vmem>>, vector<1000x151xf32>
    %iota3A = tpu.iota {dimensions = array<i32: 1>} : vector<1000x151xi32>
    %ge3A = arith.constant 1 : i32
    %ge3A_2 = vector.broadcast %ge3A : i32 to vector<1000x151xi32>
    %ge3A_3 = arith.cmpi sge, %iota3A, %ge3A_2 : vector<1000x151xi32>
    %jit3A = arith.constant 0xFF800000 : f32
    %broadcast_in_dim3A = vector.broadcast %jit3A : f32 to vector<1000x151xf32>
    %select_n3A = arith.select %ge3A_3, %get3A_1, %broadcast_in_dim3A : vector<1000x151xi1>, vector<1000x151xf32>
    %argmax3A = tpu.reduce_index %select_n3A {axis = 1 : i32, kind = #tpu.reduction_kind<arg_max>} : vector<1000x151xf32> -> vector<1000xi32>
    %broadcast_in_dim3A_4 = vector.shape_cast %argmax3A : vector<1000xi32> to vector<1000x1xi32>
    %swap3A = arith.constant 0 : index
    %swap3A_5 = arith.constant 0 : index
    %swap3A_6 = vector.load %arg2[%swap3A, %swap3A_5] : memref<1000x1xi32, #tpu.memory_space<vmem>>, vector<1000x1xi32>
    tpu.vector_store %arg2[%swap3A, %swap3A_5], %broadcast_in_dim3A_4 {strides = array<i32>} : memref<1000x1xi32, #tpu.memory_space<vmem>>, vector<1000x1xi32>,
    return
  }
  func.func @transform_0(%arg0: i32) -> (i32, i32) {
    %c0_i32 = arith.constant 0 : i32
    %c0_i32_0 = arith.constant 0 : i32
    return %arg0, %c0_i32 : i32, i32
  }
  func.func @transform_1(%arg0: i32) -> (i32, i32) {
    %c0_i32 = arith.constant 0 : i32
    %c0_i32_0 = arith.constant 0 : i32
    return %arg0, %c0_i32 : i32, i32
  }
}

module attributes {stable_mosaic.version = 14 : i64} {
  func.func @_vrterm_body(%arg0: i32, %arg1: memref<2560x512xf32, #tpu.memory_space<vmem>>, %arg2: memref<512x64xf32, #tpu.memory_space<vmem>>, %arg3: memref<1x64xf32, #tpu.memory_space<vmem>>, %arg4: memref<64x64xf32, #tpu.memory_space<vmem>>, %arg5: memref<1x64xf32, #tpu.memory_space<vmem>>, %arg6: memref<2560x64xf32, #tpu.memory_space<vmem>>) attributes {dimension_semantics = [#tpu.dimension_semantics<arbitrary>], iteration_bounds = array<i64: 8>, scalar_prefetch = 0 : i64, scratch_operands = 0 : i64, tpu.core_type = #tpu.core_type<tc>, window_params = [{transform_indices = @transform_0, window_bounds = array<i64: 2560, 512>}, {pipeline_mode = #tpu.pipeline_mode<synchronous>, transform_indices = @transform_1, window_bounds = array<i64: 512, 64>}, {pipeline_mode = #tpu.pipeline_mode<synchronous>, transform_indices = @transform_2, window_bounds = array<i64: 1, 64>}, {pipeline_mode = #tpu.pipeline_mode<synchronous>, transform_indices = @transform_3, window_bounds = array<i64: 64, 64>}, {pipeline_mode = #tpu.pipeline_mode<synchronous>, transform_indices = @transform_4, window_bounds = array<i64: 1, 64>}, {transform_indices = @transform_5, window_bounds = array<i64: 2560, 64>}]} {
    %get3A = arith.constant 0 : index
    %get3A_0 = arith.constant 0 : index
    %get3A_1 = vector.load %arg1[%get3A, %get3A_0] : memref<2560x512xf32, #tpu.memory_space<vmem>>, vector<2560x512xf32>
    %get3A_2 = arith.constant 0 : index
    %get3A_3 = arith.constant 0 : index
    %get3A_4 = vector.load %arg2[%get3A_2, %get3A_3] : memref<512x64xf32, #tpu.memory_space<vmem>>, vector<512x64xf32>
    %dot_general3A = arith.constant dense<0.000000e+00> : vector<2560x64xf32>
    %dot_general3A_5 = tpu.matmul %get3A_1, %get3A_4, %dot_general3A {dimension_numbers = #tpu.dot_dimension_numbers<[1], [0], [0], [1], [0, 0, 1, 1], [], []>, transpose_lhs_hint = false} : vector<2560x512xf32>, vector<512x64xf32>, vector<2560x64xf32> -> vector<2560x64xf32>
    %get3A_6 = arith.constant 0 : index
    %get3A_7 = arith.constant 0 : index
    %get3A_8 = vector.load %arg3[%get3A_6, %get3A_7] : memref<1x64xf32, #tpu.memory_space<vmem>>, vector<1x64xf32>
    %add3A = vector.broadcast %get3A_8 : vector<1x64xf32> to vector<2560x64xf32>
    %add3A_9 = arith.addf %dot_general3A_5, %add3A : vector<2560x64xf32>
    %get3A_10 = arith.constant 0 : index
    %get3A_11 = arith.constant 0 : index
    %get3A_12 = vector.load %arg4[%get3A_10, %get3A_11] : memref<64x64xf32, #tpu.memory_space<vmem>>, vector<64x64xf32>
    %dot_general3A_13 = arith.constant dense<0.000000e+00> : vector<2560x64xf32>
    %dot_general3A_14 = tpu.matmul %add3A_9, %get3A_12, %dot_general3A_13 {dimension_numbers = #tpu.dot_dimension_numbers<[1], [0], [0], [1], [0, 0, 1, 1], [], []>, transpose_lhs_hint = false} : vector<2560x64xf32>, vector<64x64xf32>, vector<2560x64xf32> -> vector<2560x64xf32>
    %get3A_15 = arith.constant 0 : index
    %get3A_16 = arith.constant 0 : index
    %get3A_17 = vector.load %arg5[%get3A_15, %get3A_16] : memref<1x64xf32, #tpu.memory_space<vmem>>, vector<1x64xf32>
    %add3A_18 = vector.broadcast %get3A_17 : vector<1x64xf32> to vector<2560x64xf32>
    %add3A_19 = arith.addf %dot_general3A_14, %add3A_18 : vector<2560x64xf32>
    %swap3A = arith.constant 0 : index
    %swap3A_20 = arith.constant 0 : index
    %swap3A_21 = vector.load %arg6[%swap3A, %swap3A_20] : memref<2560x64xf32, #tpu.memory_space<vmem>>, vector<2560x64xf32>
    tpu.vector_store %arg6[%swap3A, %swap3A_20], %add3A_19 {strides = array<i32>} : memref<2560x64xf32, #tpu.memory_space<vmem>>, vector<2560x64xf32>,
    return
  }
  func.func @transform_0(%arg0: i32) -> (i32, i32) {
    %c0_i32 = arith.constant 0 : i32
    %c0_i32_0 = arith.constant 0 : i32
    return %arg0, %c0_i32 : i32, i32
  }
  func.func @transform_1(%arg0: i32) -> (i32, i32) {
    %c0_i32 = arith.constant 0 : i32
    %c0_i32_0 = arith.constant 0 : i32
    %c0_i32_1 = arith.constant 0 : i32
    return %c0_i32, %c0_i32_0 : i32, i32
  }
  func.func @transform_2(%arg0: i32) -> (i32, i32) {
    %c0_i32 = arith.constant 0 : i32
    %c0_i32_0 = arith.constant 0 : i32
    %c0_i32_1 = arith.constant 0 : i32
    return %c0_i32, %c0_i32_0 : i32, i32
  }
  func.func @transform_3(%arg0: i32) -> (i32, i32) {
    %c0_i32 = arith.constant 0 : i32
    %c0_i32_0 = arith.constant 0 : i32
    %c0_i32_1 = arith.constant 0 : i32
    return %c0_i32, %c0_i32_0 : i32, i32
  }
  func.func @transform_4(%arg0: i32) -> (i32, i32) {
    %c0_i32 = arith.constant 0 : i32
    %c0_i32_0 = arith.constant 0 : i32
    %c0_i32_1 = arith.constant 0 : i32
    return %c0_i32, %c0_i32_0 : i32, i32
  }
  func.func @transform_5(%arg0: i32) -> (i32, i32) {
    %c0_i32 = arith.constant 0 : i32
    %c0_i32_0 = arith.constant 0 : i32
    return %arg0, %c0_i32 : i32, i32
  }
}

module attributes {stable_mosaic.version = 14 : i64} {
  func.func @_combine_body(%arg0: i32, %arg1: memref<2000x128xf32, #tpu.memory_space<vmem>>, %arg2: memref<2000x64xf32, #tpu.memory_space<vmem>>, %arg3: memref<2000x51xf32, #tpu.memory_space<vmem>>) attributes {dimension_semantics = [#tpu.dimension_semantics<arbitrary>], iteration_bounds = array<i64: 10>, scalar_prefetch = 0 : i64, scratch_operands = 0 : i64, tpu.core_type = #tpu.core_type<tc>, window_params = [{transform_indices = @transform_0, window_bounds = array<i64: 2000, 128>}, {transform_indices = @transform_1, window_bounds = array<i64: 2000, 64>}, {transform_indices = @transform_2, window_bounds = array<i64: 2000, 51>}]} {
    %get3A = arith.constant 0 : index
    %get3A_0 = arith.constant 0 : index
    %get3A_1 = vector.load %arg1[%get3A, %get3A_0] : memref<2000x128xf32, #tpu.memory_space<vmem>>, vector<2000x51xf32>
    %get3A_2 = arith.constant 0 : index
    %get3A_3 = arith.constant 0 : index
    %get3A_4 = vector.load %arg2[%get3A_2, %get3A_3] : memref<2000x64xf32, #tpu.memory_space<vmem>>, vector<2000x51xf32>
    %add3A = arith.addf %get3A_1, %get3A_4 : vector<2000x51xf32>
    %swap3A = arith.constant 0 : index
    %swap3A_5 = arith.constant 0 : index
    %swap3A_6 = vector.load %arg3[%swap3A, %swap3A_5] : memref<2000x51xf32, #tpu.memory_space<vmem>>, vector<2000x51xf32>
    tpu.vector_store %arg3[%swap3A, %swap3A_5], %add3A {strides = array<i32>} : memref<2000x51xf32, #tpu.memory_space<vmem>>, vector<2000x51xf32>,
    return
  }
  func.func @transform_0(%arg0: i32) -> (i32, i32) {
    %c0_i32 = arith.constant 0 : i32
    %c0_i32_0 = arith.constant 0 : i32
    return %arg0, %c0_i32 : i32, i32
  }
  func.func @transform_1(%arg0: i32) -> (i32, i32) {
    %c0_i32 = arith.constant 0 : i32
    %c0_i32_0 = arith.constant 0 : i32
    return %arg0, %c0_i32 : i32, i32
  }
  func.func @transform_2(%arg0: i32) -> (i32, i32) {
    %c0_i32 = arith.constant 0 : i32
    %c0_i32_0 = arith.constant 0 : i32
    return %arg0, %c0_i32 : i32, i32
  }
}

</mosaic_0001>

<sc_bundles>
// kernel: kernel.7.cloned.1.call-start
scs
__scs_entry_jumppad:
0x0: {  	(pc) =	sbr.rel $0x88, $3  }
0x1: {  	(tag) =	ssettag $0x0;
	lr =	simm.s32 $0x1  }
0x2: {  	[smem:$0x3F98] =	sst lr;
	_ =	strace $0xD0000000  }
0x3: {  	_ = 	snop  }
0x4: {  	_ = 	snop  }
0x5: {  	_ = 	snop  }
0x6: {  	_ = 	snop  }
0x7: {  	_ = 	snop  }
__scs_overlays_trampoline_lowered:
0x8: {  	[smem:$0x3FA7] =	sst s0  }
0x9: {  	[smem:$0x3FA8] =	sst s1  }
0xa: {  	[smem:$0x3FA9] =	sst s2  }
0xb: {  	[smem:$0x3FAA] =	sst s3  }
0xc: {  	[smem:$0x3FAB] =	sst s4  }
0xd: {  	[smem:$0x3FAC] =	sst s5  }
0xe: {  	[smem:$0x3FAD] =	sst s6  }
0xf: {  	[smem:$0x3FAE] =	sst s7  }
0x10: {  	[smem:$0x3FAF] =	sst s8  }
0x11: {  	[smem:$0x3FB0] =	sst s9;
	s0 =	simm.s32 @!p0 $0x0  }
0x12: {  	s1 =	sld [smem:$0x3F96];
	s0 =	simm.s32 @p0 $0x1  }
0x13: {  	[smem:$0x3FB1] =	sst s0;
	s0 =	simm.s32 @!p1 $0x0  }
0x14: {  	s2 =	sld [smem:$0x3F95];
	s0 =	simm.s32 @p1 $0x1  }
0x15: {  	[smem:$0x3FB2] =	sst s0;
	s0 =	simm.s32 @!p2 $0x0  }
0x16: {  	s3 =	sld [smem:$0x3FDB];
	s0 =	simm.s32 @p2 $0x1  }
0x17: {  	s4 =	simm.s32 $0x1BF5;
	[smem:$0x3FB4] =	sst s0  }
0x18: {  	s0 =	sld [smem:$0x3F97];
	_ =	swait.ge [sflag:s4], $0x0  }
0x19: {  	s7 =	sld [smem:$0x3F98]  }
0x1a: {  	s8 =	sadd.s32 $0xFFFFE003, lr  }
0x1b: {  	s9 =	sadd.s32 $0xFFFFFEF7, lr;
	s5 =	simm.s32 $0xFFFFFFFF;
	p2 =	slt.u32 s8, $0xFFFFF086  }
0x1c: {  	p1 =	slt.u32 s9, $0xF7A;
	s5 =	simm.s32 @!p2 $0x0  }
0x1d: {  	s5 =	simm.s32 @p1 $0x1;
	p0 =	seq.s32 s7, s2  }
0x1e: {  	s7 =	smul.u32 @!p0 $0xF7A, s2;
	p2 =	seq.s32 @!p0 s5, $0x0  }
0x1f: {  	s9 =	smul.u32 $0xF7A, s1;
	s8 =	simm.s32 @!p0 $0x1BF5;
	p2 =	por !p2, p0  }
0x20: {  	[sflag:s8] =	ssyncset.s32 @!p0 $0xFFFFF086;
	s6 =	sadd.s32 @!p0 s3, s7;
	s7 =	simm.s32 @!p0 $0x108  }
0x21: {  	s3 =	sadd.s32 s3, s9;
	s6 =	sadd.s32 @!p0 $0x88, s6;
	s7 =	simm.s32 @p2 $0x1082  }
0x22: {  	[simem:s7], [sflag:s8] =	dma.local @!p0 [hbm:s6], $0xF7A  }
0x23: {  	s9 =	sor.u32 $0xD0000000, s2;
	s6 =	simm.s32 $0x108;
	_ =	swait.ge @!p0 [sflag:s8], $0x0  }
0x24: {  	s3 =	sadd.s32 $0x88, s3;
	s6 =	simm.s32 @!p1 $0x1082;
	[sflag:s4] =	ssyncset.s32 $0xFFFFF086  }
0x25: {  	[simem:s6], [sflag:s4] =	dma.local [hbm:s3], $0xF7A  }
0x26: {  	[smem:$0x3F98] =	sst s1;
	(tag) =	ssettag s2;
	_ =	strace s9  }
0x27: {  	s1 =	sld [smem:$0x3FA8]  }
0x28: {  	s2 =	sld [smem:$0x3FA9]  }
0x29: {  	s4 =	sld [smem:$0x3FAB]  }
0x2a: {  	p0 =	seq.s32 s5, $0x0;
	s5 =	sld [smem:$0x3FAC]  }
0x2b: {  	s6 =	sld [smem:$0x3FAD]  }
0x2c: {  	s7 =	sld [smem:$0x3FAE]  }
0x2d: {  	s3 =	simm.s32 $0x108;
	s8 =	sld [smem:$0x3FAF]  }
0x2e: {  	s3 =	simm.s32 @!p0 $0x1082;
	s9 =	sld [smem:$0x3FB0]  }
0x2f: {  	lr =	sadd.s32 s0, s3;
	s0 =	sld [smem:$0x3FA7]  }
0x30: {  	s3 =	sld [smem:$0x3FAA]  }
0x31: {  	[smem:$0x3FB3] =	sst s10  }
0x32: {  	s10 =	sld [smem:$0x3FB1];
	_ =	sdelay $0x3  }
0x33: {  	p0 =	seq.s32 s10, $0x1;
	s10 =	sld [smem:$0x3FB3];
	_ =	sdelay $0x3  }
0x34: {  	[smem:$0x3FB3] =	sst s10  }
0x35: {  	s10 =	sld [smem:$0x3FB2];
	_ =	sdelay $0x3  }
0x36: {  	p1 =	seq.s32 s10, $0x1;
	s10 =	sld [smem:$0x3FB3];
	_ =	sdelay $0x3  }
0x37: {  	[smem:$0x3FB3] =	sst s10  }
0x38: {  	s10 =	sld [smem:$0x3FB4]  }
0x39: {  	_ = 	snop;
	(pc) =	sbr.ind lr, $3  }
0x3a: {  	_ = 	snop  }
0x3b: {  	_ = 	snop  }
0x3c: {  	p2 =	seq.s32 s10, $0x1;
	s10 =	sld [smem:$0x3FB3]  }
0x3d: {  	_ =	shalt  }
0x3e: {  	_ =	shalt  }
0x3f: {  	_ =	shalt  }
0x40: {  	_ =	shalt  }
0x41: {  	_ =	shalt  }
0x42: {  	_ =	shalt  }
0x43: {  	_ =	shalt  }
0x44: {  	_ =	shalt  }
0x45: {  	_ =	shalt  }
0x46: {  	_ =	shalt  }
0x47: {  	_ =	shalt  }
0x48: {  	_ =	shalt  }
0x49: {  	_ =	shalt  }
0x4a: {  	_ =	shalt  }
0x4b: {  	_ =	shalt  }
0x4c: {  	_ =	shalt  }
0x4d: {  	_ =	shalt  }
0x4e: {  	_ =	shalt  }
0x4f: {  	_ =	shalt  }
0x50: {  	_ =	shalt  }
0x51: {  	_ =	shalt  }
0x52: {  	_ =	shalt  }
0x53: {  	_ =	shalt  }
0x54: {  	_ =	shalt  }
0x55: {  	_ =	shalt  }
0x56: {  	_ =	shalt  }
0x57: {  	_ =	shalt  }
0x58: {  	_ =	shalt  }
0x59: {  	_ =	shalt  }
0x5a: {  	_ =	shalt  }
0x5b: {  	_ =	shalt  }
0x5c: {  	_ =	shalt  }
0x5d: {  	_ =	shalt  }
0x5e: {  	_ =	shalt  }
0x5f: {  	_ =	shalt  }
0x60: {  	_ =	shalt  }
0x61: {  	_ =	shalt  }
0x62: {  	_ =	shalt  }
0x63: {  	_ =	shalt  }
0x64: {  	_ =	shalt  }
0x65: {  	_ =	shalt  }
0x66: {  	_ =	shalt  }
0x67: {  	_ =	shalt  }
0x68: {  	_ =	shalt  }
0x69: {  	_ =	shalt  }
0x6a: {  	_ =	shalt  }
0x6b: {  	_ =	shalt  }
0x6c: {  	_ =	shalt  }
0x6d: {  	_ =	shalt  }
0x6e: {  	_ =	shalt  }
0x6f: {  	_ =	shalt  }
0x70: {  	_ =	shalt  }
0x71: {  	_ =	shalt  }
0x72: {  	_ =	shalt  }
0x73: {  	_ =	shalt  }
0x74: {  	_ =	shalt  }
0x75: {  	_ =	shalt  }
0x76: {  	_ =	shalt  }
0x77: {  	_ =	shalt  }
0x78: {  	_ =	shalt  }
0x79: {  	_ =	shalt  }
0x7a: {  	_ =	shalt  }
0x7b: {  	_ =	shalt  }
0x7c: {  	_ =	shalt  }
0x7d: {  	_ =	shalt  }
0x7e: {  	_ =	shalt  }
0x7f: {  	_ =	shalt  }
0x80: {  	_ =	shalt  }
0x81: {  	_ =	shalt  }
0x82: {  	_ =	shalt  }
0x83: {  	_ =	shalt  }
0x84: {  	_ =	shalt  }
0x85: {  	_ =	shalt  }
0x86: {  	_ =	shalt  }
0x87: {  	_ =	shalt  }
.Lfunc_end0:
.L_simem_size_0:
called_computation_lowered:
.L_overlay_start_0:
0x88: {  	s2 =	sld [smem:$0x3FD9]  }
0x89: {  	s3 =	sld [smem:$0x3FFE];
	_ =	sdelay $0x1  }
0x8a: {  	s1 =	srdreg.scid  }
0x8b: {  	s0 =	sand.u32 $0x1, s1  }
0x8c: {  	s14 =	sshll.u32 s0, $0xA;
	s2 =	sadd.s32 s3, s2  }
0x8d: {  	s2 =	sadd.s32 s2, s14  }
0x8e: {  	[smem:$0x3FBF] =	sst s2  }
0x8f: {  	_ = 	snop  }
0x90: {  	s2 =	sld [smem:$0x3FD0];
	_ =	sdelay $0x2  }
0x91: {  	s15 =	simm.s32 $0xA;
	s4 =	simm.s32 $0x10  }
0x92: {  	[smem:s4], [sflag:s15] =	dma.local [hbm:s2], $0x1  }
0x93: {  	_ =	swait.eq [sflag:s15], $0x1  }
0x94: {  	[sflag:s15] =	ssyncset.done $0x0  }
0x95: {  	s16 =	sld [smem:$0x10];
	[sflag:s15] =	ssyncadd.s32 $0xFFFFFFFF  }
0x96: {  	s17 =	sld [smem:$0x12];
	(tm) =	ssettm $0x1  }
0x97: {  	s18 =	sld [smem:$0x3FFB];
	_ =	sdelay $0x3  }
0x98: {  	_ =	strace s18  }
0x99: {  	s4 =	sld [smem:$0x3FFC];
	_ =	sdelay $0x3  }
0x9a: {  	_ =	strace s4  }
0x9b: {  	s4 =	sld [smem:$0x3FFD];
	_ =	sdelay $0x3  }
0x9c: {  	_ =	strace s4  }
0x9d: {  	_ =	strace $0x8FFFFFFF  }
0x9e: {  	s19 =	sld [smem:$0x3FDB];
	_ =	sdelay $0x1  }
0x9f: {  	s5 =	simm.s32 $_scs_section_size  }
0xa0: {  	s6 =	simm.s32 $_size__tile_overlayer_lowered;
	s7 =	simm.s32 $_tile_overlayer_lowered  }
0xa1: {  	s22 =	simm.s32 $0x1BFF;
	s21 =	sshll.u32 s7, $0x1;
	s4 =	sadd.s32 s5, s19  }
0xa2: {  	s8 =	simm.s32 $0x0;
	s20 =	sshll.u32 s6, $0x1;
	s6 =	sadd.s32 s21, s4  }
0xa3: {  	[timem:s8], [sflag:s22] =	dma.local [hbm:s6], s20  }
0xa4: {  	_ =	swait.ge [sflag:s22], s20  }
0xa5: {  	s5 =	ssub.s32 $0x0, s20;
	[sflag:s22] =	ssyncset.done $0x0  }
0xa6: {  	[sflag:s22] =	ssyncadd.s32 s5;
	_ =	sdelay $0x1  }
0xa7: {  	s23 =	simm.s32 $0x1B8B  }
0xa8: {  	_ =	swait.ge [sflag:s23], $0x1  }
0xa9: {  	[sflag:s23] =	ssyncset.done $0x0  }
0xaa: {  	s25 =	simm.s32 $0x1B8E;
	s24 =	sld [smem:$0x3FFE];
	[sflag:s23] =	ssyncadd.s32 $0xFFFFFFFF  }
0xab: {  	s26 =	simm.s32 $execute0_lowered;
	[smem:$0x3FD2] =	sst s25  }
0xac: {  	s6 =	sshll.u32 s26, $0x1;
	_ =	strace $0x80000046;
	[dreg:$0x1] =	wrdreg $0xFFFFFFFF  }
0xad: {  	s28 =	simm.s32 $_size_execute0_lowered;
	s4 =	sadd.s32 s4, s6;
	[dreg:$0x0] =	wrdreg $0x0  }
0xae: {  	s6 =	sshll.u32 s28, $0x1;
	[dreg:$0x2] =	wrdreg s4  }
0xaf: {  	[dreg:$0x3] =	wrdreg s6  }
0xb0: {  	[dreg:$0x4] =	wrdreg $0xC0  }
0xb1: {  	_ =	task [dreg:s8], $0x5FFFF  }
0xb2: {  	[dreg:$0x1] =	wrdreg $0xFFFFFFFF  }
0xb3: {  	[dreg:$0x0] =	wrdreg $0x60  }
0xb4: {  	[dreg:$0x2] =	wrdreg s16  }
0xb5: {  	[dreg:$0x3] =	wrdreg s17  }
0xb6: {  	[dreg:$0x4] =	wrdreg s24  }
0xb7: {  	[dreg:$0x5] =	wrdreg $0x9  }
0xb8: {  	_ =	task.clear_ibuf [dreg:s8], $0x6FFFF;
	_ =	strace $0x90000046  }
0xb9: {  	s29 =	simm.s32 $0x9;
	_ =	strace $0x80000048  }
0xba: {  	_ =	swait.ge [sflag:s29], $0x1  }
0xbb: {  	[sflag:s29] =	ssyncadd.s32 $0xFFFFFFFF  }
0xbc: {  	_ =	strace $0x90000048  }
0xbd: {  	_ =	sfence  }
0xbe: {  	s30 =	sld [smem:$0x0];
	_ =	sdelay $0x2  }
0xbf: {  	s31 =	sshll.u32 s1, $0xD;
	s1 =	sshrl.u32 s1, $0x2  }
0xc0: {  	s3 =	sand.u32 $0x4000, s31;
	s1 =	sadd.s32 s1, s30  }
0xc1: {  	s0 =	sor.u32 s3, s0;
	s1 =	sshll.u32 s1, $0x11  }
0xc2: {  	s0 =	sor.u32 s1, s0  }
0xc3: {  	s0 =	sadd.s32 $0x8F2B, s0  }
0xc4: {  	[sflag:s0] =	ssyncadd.remote.s32 $0x1  }
0xc5: {  	_ =	sfence.sel $0xFFFF  }
0xc6: {  	[dreg:$0x0] =	wrdreg $0xFFFFFFFF;
	(pc) =	sbr.abs _section_cstart, $3  }
0xc7: {  	[dreg:$0x1] =	wrdreg $0xFFFFFFFF  }
0xc8: {  	_ =	task.clear_ibuf [dreg:s8], $0x2FFFF;
	_ =	strace $0x9FFFFFFF  }
0xc9: {  	(tm) =	ssettm $0x7FFFFFFF  }
tec
execute0_lowered:
.L_overlay_start_1:
0x0: {  	(tag) =	ssettag $0x1  }
0x1: {  	s4 =	rddreg [dreg:$0x0];
	s0 =	srdreg.scid  }
0x2: {  	s16 =	stileid.u32;
	s3 =	rddreg [dreg:$0x1]  }
0x3: {  	s5 =	rddreg [dreg:$0x2];
	s2 =	simm.s32 $0x0;
	s29 =	simm.s32 $0x280  }
0x4: {  	s28 =	simm.s32 $0x500;
	s31 =	simm.s32 $0x1;
	s11 =	simm.s32 $0x80  }
0x5: {  	s13 =	simm.s32 $0x2;
	s14 =	simm.s32 $0x4780;
	s10 =	simm.s32 $0x4  }
0x6: {  	s18 =	simm.s32 $0x3;
	s30 =	simm.s32 $0x580;
	s15 =	simm.s32 $0x5  }
0x7: {  	s12 =	simm.s32 $0x7;
	p0 =	por $0x0, $0x0;
	s21 =	simm.s32 $0x680  }
0x8: {  	s20 =	simm.s32 $0x480;
	s0 =	sand.u32 $0x1, s0;
	s1 =	sshll.u32 s16, $0x1  }
0x9: {  	s17 =	simm.s32 $0x700;
	s19 =	simm.s32 $0x200;
	s1 =	sor.u32 s0, s1  }
0xa: {  	[smem:$0x7FF] =	sst s2;
	s0 =	ssub.s32 $0x2, s0;
	s6 =	smul.u32 $0x50, s1  }
0xb: {  	s7 =	sadd.s32 $0x16000, s5;
	s9 =	smul.u32 $0x14000, s1;
	s25 =	sshrl.u32 s0, $0x1  }
0xc: {  	_ =	strace $0x80000047;
	s1 =	smul.u32 $0x2800, s1;
	s0 =	ssub.s32 s0, s25  }
0xd: {  	s25 =	simm.s32 $0x400;
	s6 =	sadd.s32 s6, s5;
	s23 =	sshrl.u32 s9, $0x3  }
0xe: {  	s1 =	sadd.s32 s7, s1;
	s0 =	smax.u32 s0, $0x1;
	s8 =	sadd.s32 $0x800, s6  }
0xf: {  	s22 =	sadd.s32 $0x1200, s6;
	s6 =	sadd.s32 $0x1C00, s6;
	[dreg:$0x7] =	wrdreg s1  }
0x10: {  	s7 =	sadd.s32 s7, s23;
	s23 =	simm.s32 $0x600;
	[dreg:$0x4] =	wrdreg s8  }
0x11: {  	p1 =	sne.s32 s0, $0x1;
	s1 =	sadd.s32 $0xFFFFFFFF, s0;
	[dreg:$0x5] =	wrdreg s22  }
.Ltmp0:
0x12: {  	[dreg:$0x6] =	wrdreg s6;
	s24 =	sadd.s32 $0x800, s7;
	(pc) =	sbr.rel @!p1 .LBB2_1-.Ltmp0, $4  }
0x13: {  	s26 =	sadd.s32 $0x1000, s7;
	s6 =	sadd.s32 $0x2600, s5;
	s9 =	sadd.s32 $0x1800, s7  }
0x14: {  	s5 =	sadd.s32 $0x2000, s7;
	s7 =	simm.s32 $0x780;
	[dreg:$0x8] =	wrdreg s24  }
0x15: {  	s8 =	simm.s32 $0x6;
	s22 =	simm.s32 $0x180;
	[dreg:$0x9] =	wrdreg s26  }
0x16: {  	s26 =	simm.s32 $0x380;
	s24 =	simm.s32 $0x100;
	s0 =	rddreg [dreg:$0x4]  }
0x17: {  	[tilespmem:s2], [sflag:$0x1] =	stream.linear.gather [hbm4b:s0+s2], $0x280, $0x38;
	[tilespmem:$0x8780] =	vst v63  }
0x18: {  	s16 =	smov.u32 s1;
	s1 =	rddreg [dreg:$0x5]  }
0x19: {  	[tilespmem:s29], [sflag:$0x1] =	stream.linear.gather [hbm4b:s1+s2], $0x280, $0x38;
	[tilespmem:$0x8780] =	vst v63  }
0x1a: {  	s0 =	rddreg [dreg:$0x6]  }
0x1b: {  	[tilespmem:s28], [sflag:$0x1] =	stream.linear.gather [hbm4b:s0+s2], $0x280, $0x38;
	[tilespmem:$0x8780] =	vst v63  }
0x1c: {  	_ =	swait.ge [sflag:s31], $0x280  }
0x1d: {  	[sflag:s31] =	ssyncset.done $0x0  }
0x1e: {  	[sflag:s31] =	ssyncadd.s32 $0xFFFFFD80  }
0x1f: {  	_ =	swait.ge [sflag:s31], $0x280  }
0x20: {  	[sflag:s31] =	ssyncset.done $0x0  }
0x21: {  	[sflag:s31] =	ssyncadd.s32 $0xFFFFFD80  }
0x22: {  	_ =	swait.ge [sflag:s31], $0x280  }
0x23: {  	[sflag:s31] =	ssyncset.done $0x0  }
0x24: {  	[sflag:s31] =	ssyncadd.s32 $0xFFFFFD80  }
0x25: {  	[tilespmem:s7], [sflag:$0x2] =	stream.indirect.gather [hbm4b:s4+s11], $0x80, s29, s11, $0xb8;
	[tilespmem:$0x8780] =	vst v63  }
0x26: {  	_ =	swait.ge [sflag:s13], $0x4000  }
0x27: {  	[sflag:s13] =	ssyncset.done $0x0  }
0x28: {  	[sflag:s13] =	ssyncadd.s32 $0xFFFFC000  }
0x29: {  	[tilespmem:s7], [sflag:$0x4] =	stream.indirect.gather.add.f32 [hbm:s3], $0x80, s28, s11, $0xb8;
	[tilespmem:$0x8780] =	vst v63  }
0x2a: {  	_ = 	snop  }
0x2b: {  	[tilespmem:s7], [sflag:$0x4] =	stream.indirect.gather.add.f32 [hbm:s6], $0x80, s2, s11, $0xb8;
	[tilespmem:$0x8780] =	vst v63  }
0x2c: {  	s1 =	simm.s32 $0x300  }
0x2d: {  	[tilespmem:s14], [sflag:$0x3] =	stream.indirect.gather [hbm4b:s4+s11], $0x80, s1, s11, $0xb8;
	[tilespmem:$0x8780] =	vst v63  }
0x2e: {  	_ =	swait.ge [sflag:s10], $0x4000  }
0x2f: {  	[sflag:s10] =	ssyncset.done $0x0  }
0x30: {  	[sflag:s10] =	ssyncadd.s32 $0xFFFFC000  }
0x31: {  	_ =	swait.ge [sflag:s10], $0x4000  }
0x32: {  	[sflag:s10] =	ssyncset.done $0x0  }
0x33: {  	s1 =	rddreg [dreg:$0x7];
	[sflag:s10] =	ssyncadd.s32 $0xFFFFC000  }
0x34: {  	[hbm4b:s1+s2] =	stream.linear.scatter [tilespmem:s7], [sflag:$0x6], $0x4000, $0x38;
	[tilespmem:$0x8780] =	vst v63  }
0x35: {  	_ =	swait.ge [sflag:s18], $0x4000  }
0x36: {  	[sflag:s18] =	ssyncset.done $0x0  }
0x37: {  	[sflag:s18] =	ssyncadd.s32 $0xFFFFC000  }
0x38: {  	[tilespmem:s14], [sflag:$0x5] =	stream.indirect.gather.add.f32 [hbm:s3], $0x80, s30, s11, $0xb8;
	[tilespmem:$0x8780] =	vst v63  }
0x39: {  	_ = 	snop  }
0x3a: {  	[tilespmem:s14], [sflag:$0x5] =	stream.indirect.gather.add.f32 [hbm:s6], $0x80, s11, s11, $0xb8;
	[tilespmem:$0x8780] =	vst v63  }
0x3b: {  	_ =	swait.ge [sflag:s8], $0x4000  }
0x3c: {  	[sflag:s8] =	ssyncset.done $0x0  }
0x3d: {  	[sflag:s8] =	ssyncadd.s32 $0xFFFFC000  }
0x3e: {  	[tilespmem:s7], [sflag:$0x2] =	stream.indirect.gather [hbm4b:s4+s11], $0x80, s26, s11, $0xb8;
	[tilespmem:$0x8780] =	vst v63  }
0x3f: {  	_ =	swait.ge [sflag:s15], $0x4000  }
0x40: {  	[sflag:s15] =	ssyncset.done $0x0  }
0x41: {  	[sflag:s15] =	ssyncadd.s32 $0xFFFFC000  }
0x42: {  	_ =	swait.ge [sflag:s15], $0x4000  }
0x43: {  	[sflag:s15] =	ssyncset.done $0x0  }
0x44: {  	s1 =	rddreg [dreg:$0x8];
	[sflag:s15] =	ssyncadd.s32 $0xFFFFC000  }
0x45: {  	[hbm4b:s1+s2] =	stream.linear.scatter [tilespmem:s14], [sflag:$0x7], $0x4000, $0x38;
	[tilespmem:$0x8780] =	vst v63  }
0x46: {  	_ =	swait.ge [sflag:s13], $0x4000  }
0x47: {  	[sflag:s13] =	ssyncset.done $0x0  }
0x48: {  	[sflag:s13] =	ssyncadd.s32 $0xFFFFC000  }
0x49: {  	[tilespmem:s7], [sflag:$0x4] =	stream.indirect.gather.add.f32 [hbm:s3], $0x80, s23, s11, $0xb8;
	[tilespmem:$0x8780] =	vst v63  }
0x4a: {  	_ = 	snop  }
0x4b: {  	[tilespmem:s7], [sflag:$0x4] =	stream.indirect.gather.add.f32 [hbm:s6], $0x80, s24, s11, $0xb8;
	[tilespmem:$0x8780] =	vst v63  }
0x4c: {  	_ =	swait.ge [sflag:s12], $0x4000  }
0x4d: {  	[sflag:s12] =	ssyncset.done $0x0  }
0x4e: {  	[sflag:s12] =	ssyncadd.s32 $0xFFFFC000  }
0x4f: {  	[tilespmem:s14], [sflag:$0x3] =	stream.indirect.gather [hbm4b:s4+s11], $0x80, s25, s11, $0xb8;
	[tilespmem:$0x8780] =	vst v63  }
0x50: {  	_ =	swait.ge [sflag:s10], $0x4000  }
0x51: {  	[sflag:s10] =	ssyncset.done $0x0  }
0x52: {  	[sflag:s10] =	ssyncadd.s32 $0xFFFFC000  }
0x53: {  	_ =	swait.ge [sflag:s10], $0x4000  }
0x54: {  	[sflag:s10] =	ssyncset.done $0x0  }
0x55: {  	s1 =	rddreg [dreg:$0x9];
	[sflag:s10] =	ssyncadd.s32 $0xFFFFC000  }
0x56: {  	[hbm4b:s1+s2] =	stream.linear.scatter [tilespmem:s7], [sflag:$0x6], $0x4000, $0x38;
	[tilespmem:$0x8780] =	vst v63  }
0x57: {  	_ =	swait.ge [sflag:s18], $0x4000  }
0x58: {  	[sflag:s18] =	ssyncset.done $0x0  }
0x59: {  	[sflag:s18] =	ssyncadd.s32 $0xFFFFC000  }
0x5a: {  	[tilespmem:s14], [sflag:$0x5] =	stream.indirect.gather.add.f32 [hbm:s3], $0x80, s21, s11, $0xb8;
	[tilespmem:$0x8780] =	vst v63  }
0x5b: {  	_ = 	snop  }
0x5c: {  	[tilespmem:s14], [sflag:$0x5] =	stream.indirect.gather.add.f32 [hbm:s6], $0x80, s22, s11, $0xb8;
	[tilespmem:$0x8780] =	vst v63  }
0x5d: {  	_ =	swait.ge [sflag:s8], $0x4000  }
0x5e: {  	[sflag:s8] =	ssyncset.done $0x0  }
0x5f: {  	[sflag:s8] =	ssyncadd.s32 $0xFFFFC000  }
0x60: {  	[tilespmem:s7], [sflag:$0x2] =	stream.indirect.gather [hbm4b:s4+s11], $0x80, s20, s11, $0xb8;
	[tilespmem:$0x8780] =	vst v63  }
0x61: {  	_ =	swait.ge [sflag:s15], $0x4000  }
0x62: {  	[sflag:s15] =	ssyncset.done $0x0  }
0x63: {  	[sflag:s15] =	ssyncadd.s32 $0xFFFFC000  }
0x64: {  	_ =	swait.ge [sflag:s15], $0x4000  }
0x65: {  	[sflag:s15] =	ssyncset.done $0x0  }
0x66: {  	[sflag:s15] =	ssyncadd.s32 $0xFFFFC000  }
0x67: {  	[hbm4b:s9+s2] =	stream.linear.scatter [tilespmem:s14], [sflag:$0x7], $0x4000, $0x38;
	[tilespmem:$0x8780] =	vst v63  }
0x68: {  	_ =	swait.ge [sflag:s13], $0x4000  }
0x69: {  	[sflag:s13] =	ssyncset.done $0x0  }
0x6a: {  	[sflag:s13] =	ssyncadd.s32 $0xFFFFC000  }
0x6b: {  	[tilespmem:s7], [sflag:$0x4] =	stream.indirect.gather.add.f32 [hbm:s3], $0x80, s17, s11, $0xb8;
	[tilespmem:$0x8780] =	vst v63  }
0x6c: {  	_ = 	snop  }
0x6d: {  	[tilespmem:s7], [sflag:$0x4] =	stream.indirect.gather.add.f32 [hbm:s6], $0x80, s19, s11, $0xb8;
	[tilespmem:$0x8780] =	vst v63  }
0x6e: {  	_ =	swait.ge [sflag:s10], $0x4000  }
0x6f: {  	[sflag:s10] =	ssyncset.done $0x0  }
0x70: {  	[sflag:s10] =	ssyncadd.s32 $0xFFFFC000  }
0x71: {  	_ =	swait.ge [sflag:s10], $0x4000  }
0x72: {  	[sflag:s10] =	ssyncset.done $0x0  }
0x73: {  	p1 =	sne.s32 s16, $0x1;
	[sflag:s10] =	ssyncadd.s32 $0xFFFFC000  }
0x74: {  	[hbm4b:s5+s2] =	stream.linear.scatter [tilespmem:s7], [sflag:$0x6], $0x4000, $0x38;
	[tilespmem:$0x8780] =	vst v63  }
.Ltmp1:
0x75: {  	_ =	swait.ge [sflag:s8], $0x4000;
	(pc) =	sbr.rel @!p1 .LBB2_3-.Ltmp1, $4  }
0x76: {  	[sflag:s8] =	ssyncset.done $0x0  }
0x77: {  	[sflag:s8] =	ssyncadd.s32 $0xFFFFC000  }
0x78: {  	p0 =	por $0x1, $0x1;
	_ =	swait.ge [sflag:s12], $0x4000  }
0x79: {  	s1 =	sadd.s32 $0xFFFFFFFF, s16;
	s0 =	rddreg [dreg:$0x4];
	[sflag:s12] =	ssyncset.done $0x0  }
.LBB2_4:
0x7a: {  	[sflag:s12] =	ssyncadd.s32 $0xFFFFC000  }
0x7b: {  	[tilespmem:s2], [sflag:$0x1] =	stream.linear.gather [hbm4b:s0+s2], $0x280, $0x38;
	[tilespmem:$0x8780] =	vst v63  }
0x7c: {  	s16 =	rddreg [dreg:$0x5]  }
0x7d: {  	[tilespmem:s29], [sflag:$0x1] =	stream.linear.gather [hbm4b:s16+s2], $0x280, $0x38;
	[tilespmem:$0x8780] =	vst v63  }
0x7e: {  	s0 =	rddreg [dreg:$0x6]  }
0x7f: {  	[tilespmem:s28], [sflag:$0x1] =	stream.linear.gather [hbm4b:s0+s2], $0x280, $0x38;
	[tilespmem:$0x8780] =	vst v63  }
0x80: {  	_ =	swait.ge [sflag:s31], $0x280  }
0x81: {  	[sflag:s31] =	ssyncset.done $0x0  }
0x82: {  	[sflag:s31] =	ssyncadd.s32 $0xFFFFFD80  }
0x83: {  	_ =	swait.ge [sflag:s31], $0x280  }
0x84: {  	[sflag:s31] =	ssyncset.done $0x0  }
0x85: {  	[sflag:s31] =	ssyncadd.s32 $0xFFFFFD80  }
0x86: {  	_ =	swait.ge [sflag:s31], $0x280  }
0x87: {  	[sflag:s31] =	ssyncset.done $0x0  }
0x88: {  	[sflag:s31] =	ssyncadd.s32 $0xFFFFFD80  }
0x89: {  	[tilespmem:s7], [sflag:$0x2] =	stream.indirect.gather [hbm4b:s4+s11], $0x80, s29, s11, $0xb8;
	[tilespmem:$0x8780] =	vst v63  }
0x8a: {  	_ =	swait.ge [sflag:s13], $0x4000  }
0x8b: {  	[sflag:s13] =	ssyncset.done $0x0  }
0x8c: {  	[sflag:s13] =	ssyncadd.s32 $0xFFFFC000  }
0x8d: {  	[tilespmem:s7], [sflag:$0x4] =	stream.indirect.gather.add.f32 [hbm:s3], $0x80, s28, s11, $0xb8;
	[tilespmem:$0x8780] =	vst v63  }
0x8e: {  	_ = 	snop  }
0x8f: {  	[tilespmem:s7], [sflag:$0x4] =	stream.indirect.gather.add.f32 [hbm:s6], $0x80, s2, s11, $0xb8;
	[tilespmem:$0x8780] =	vst v63  }
0x90: {  	s16 =	simm.s32 $0x300  }
0x91: {  	[tilespmem:s14], [sflag:$0x3] =	stream.indirect.gather [hbm4b:s4+s11], $0x80, s16, s11, $0xb8;
	[tilespmem:$0x8780] =	vst v63  }
0x92: {  	_ =	swait.ge [sflag:s10], $0x4000  }
0x93: {  	[sflag:s10] =	ssyncset.done $0x0  }
0x94: {  	[sflag:s10] =	ssyncadd.s32 $0xFFFFC000  }
0x95: {  	_ =	swait.ge [sflag:s10], $0x4000  }
0x96: {  	[sflag:s10] =	ssyncset.done $0x0  }
0x97: {  	s16 =	rddreg [dreg:$0x7];
	[sflag:s10] =	ssyncadd.s32 $0xFFFFC000  }
0x98: {  	[hbm4b:s16+s2] =	stream.linear.scatter [tilespmem:s7], [sflag:$0x6], $0x4000, $0x38;
	[tilespmem:$0x8780] =	vst v63  }
0x99: {  	_ =	swait.ge [sflag:s18], $0x4000  }
0x9a: {  	[sflag:s18] =	ssyncset.done $0x0  }
0x9b: {  	[sflag:s18] =	ssyncadd.s32 $0xFFFFC000  }
0x9c: {  	[tilespmem:s14], [sflag:$0x5] =	stream.indirect.gather.add.f32 [hbm:s3], $0x80, s30, s11, $0xb8;
	[tilespmem:$0x8780] =	vst v63  }
0x9d: {  	_ = 	snop  }
0x9e: {  	[tilespmem:s14], [sflag:$0x5] =	stream.indirect.gather.add.f32 [hbm:s6], $0x80, s11, s11, $0xb8;
	[tilespmem:$0x8780] =	vst v63  }
0x9f: {  	_ =	swait.ge [sflag:s8], $0x4000  }
0xa0: {  	[sflag:s8] =	ssyncset.done $0x0  }
0xa1: {  	[sflag:s8] =	ssyncadd.s32 $0xFFFFC000  }
0xa2: {  	[tilespmem:s7], [sflag:$0x2] =	stream.indirect.gather [hbm4b:s4+s11], $0x80, s26, s11, $0xb8;
	[tilespmem:$0x8780] =	vst v63  }
0xa3: {  	_ =	swait.ge [sflag:s15], $0x4000  }
0xa4: {  	[sflag:s15] =	ssyncset.done $0x0  }
0xa5: {  	[sflag:s15] =	ssyncadd.s32 $0xFFFFC000  }
0xa6: {  	_ =	swait.ge [sflag:s15], $0x4000  }
0xa7: {  	[sflag:s15] =	ssyncset.done $0x0  }
0xa8: {  	s16 =	rddreg [dreg:$0x8];
	[sflag:s15] =	ssyncadd.s32 $0xFFFFC000  }
0xa9: {  	[hbm4b:s16+s2] =	stream.linear.scatter [tilespmem:s14], [sflag:$0x7], $0x4000, $0x38;
	[tilespmem:$0x8780] =	vst v63  }
0xaa: {  	_ =	swait.ge [sflag:s13], $0x4000  }
0xab: {  	[sflag:s13] =	ssyncset.done $0x0  }
0xac: {  	[sflag:s13] =	ssyncadd.s32 $0xFFFFC000  }
0xad: {  	[tilespmem:s7], [sflag:$0x4] =	stream.indirect.gather.add.f32 [hbm:s3], $0x80, s23, s11, $0xb8;
	[tilespmem:$0x8780] =	vst v63  }
0xae: {  	_ = 	snop  }
0xaf: {  	[tilespmem:s7], [sflag:$0x4] =	stream.indirect.gather.add.f32 [hbm:s6], $0x80, s24, s11, $0xb8;
	[tilespmem:$0x8780] =	vst v63  }
0xb0: {  	_ =	swait.ge [sflag:s12], $0x4000  }
0xb1: {  	[sflag:s12] =	ssyncset.done $0x0  }
0xb2: {  	[sflag:s12] =	ssyncadd.s32 $0xFFFFC000  }
0xb3: {  	[tilespmem:s14], [sflag:$0x3] =	stream.indirect.gather [hbm4b:s4+s11], $0x80, s25, s11, $0xb8;
	[tilespmem:$0x8780] =	vst v63  }
0xb4: {  	_ =	swait.ge [sflag:s10], $0x4000  }
0xb5: {  	[sflag:s10] =	ssyncset.done $0x0  }
0xb6: {  	[sflag:s10] =	ssyncadd.s32 $0xFFFFC000  }
0xb7: {  	_ =	swait.ge [sflag:s10], $0x4000  }
0xb8: {  	[sflag:s10] =	ssyncset.done $0x0  }
0xb9: {  	s16 =	rddreg [dreg:$0x9];
	[sflag:s10] =	ssyncadd.s32 $0xFFFFC000  }
0xba: {  	[hbm4b:s16+s2] =	stream.linear.scatter [tilespmem:s7], [sflag:$0x6], $0x4000, $0x38;
	[tilespmem:$0x8780] =	vst v63  }
0xbb: {  	_ =	swait.ge [sflag:s18], $0x4000  }
0xbc: {  	[sflag:s18] =	ssyncset.done $0x0  }
0xbd: {  	[sflag:s18] =	ssyncadd.s32 $0xFFFFC000  }
0xbe: {  	[tilespmem:s14], [sflag:$0x5] =	stream.indirect.gather.add.f32 [hbm:s3], $0x80, s21, s11, $0xb8;
	[tilespmem:$0x8780] =	vst v63  }
0xbf: {  	_ = 	snop  }
0xc0: {  	[tilespmem:s14], [sflag:$0x5] =	stream.indirect.gather.add.f32 [hbm:s6], $0x80, s22, s11, $0xb8;
	[tilespmem:$0x8780] =	vst v63  }
0xc1: {  	_ =	swait.ge [sflag:s8], $0x4000  }
0xc2: {  	[sflag:s8] =	ssyncset.done $0x0  }
0xc3: {  	[sflag:s8] =	ssyncadd.s32 $0xFFFFC000  }
0xc4: {  	[tilespmem:s7], [sflag:$0x2] =	stream.indirect.gather [hbm4b:s4+s11], $0x80, s20, s11, $0xb8;
	[tilespmem:$0x8780] =	vst v63  }
0xc5: {  	_ =	swait.ge [sflag:s15], $0x4000  }
0xc6: {  	[sflag:s15] =	ssyncset.done $0x0  }
0xc7: {  	[sflag:s15] =	ssyncadd.s32 $0xFFFFC000  }
0xc8: {  	_ =	swait.ge [sflag:s15], $0x4000  }
0xc9: {  	[sflag:s15] =	ssyncset.done $0x0  }
0xca: {  	[sflag:s15] =	ssyncadd.s32 $0xFFFFC000  }
0xcb: {  	[hbm4b:s9+s2] =	stream.linear.scatter [tilespmem:s14], [sflag:$0x7], $0x4000, $0x38;
	[tilespmem:$0x8780] =	vst v63  }
0xcc: {  	_ =	swait.ge [sflag:s13], $0x4000  }
0xcd: {  	[sflag:s13] =	ssyncset.done $0x0  }
0xce: {  	[sflag:s13] =	ssyncadd.s32 $0xFFFFC000  }
0xcf: {  	[tilespmem:s7], [sflag:$0x4] =	stream.indirect.gather.add.f32 [hbm:s3], $0x80, s17, s11, $0xb8;
	[tilespmem:$0x8780] =	vst v63  }
0xd0: {  	_ = 	snop  }
0xd1: {  	[tilespmem:s7], [sflag:$0x4] =	stream.indirect.gather.add.f32 [hbm:s6], $0x80, s19, s11, $0xb8;
	[tilespmem:$0x8780] =	vst v63  }
0xd2: {  	_ =	swait.ge [sflag:s10], $0x4000  }
0xd3: {  	[sflag:s10] =	ssyncset.done $0x0  }
0xd4: {  	[sflag:s10] =	ssyncadd.s32 $0xFFFFC000  }
0xd5: {  	_ =	swait.ge [sflag:s10], $0x4000  }
0xd6: {  	[sflag:s10] =	ssyncset.done $0x0  }
0xd7: {  	p1 =	sne.s32 s1, $0x1;
	[sflag:s10] =	ssyncadd.s32 $0xFFFFC000  }
0xd8: {  	[hbm4b:s5+s2] =	stream.linear.scatter [tilespmem:s7], [sflag:$0x6], $0x4000, $0x38;
	[tilespmem:$0x8780] =	vst v63  }
.Ltmp2:
0xd9: {  	_ =	swait.ge [sflag:s8], $0x4000;
	(pc) =	sbr.rel @p1 .LBB2_4-.Ltmp2, $4  }
0xda: {  	[sflag:s8] =	ssyncset.done $0x0  }
0xdb: {  	[sflag:s8] =	ssyncadd.s32 $0xFFFFC000  }
0xdc: {  	_ =	swait.ge [sflag:s12], $0x4000  }
0xdd: {  	s1 =	sadd.s32 $0xFFFFFFFF, s1;
	s0 =	rddreg [dreg:$0x4];
	[sflag:s12] =	ssyncset.done $0x0  }
0xde: {  	s19 =	simm.s32 $0x300;
	s30 =	simm.s32 $0x580  }
0xdf: {  	s26 =	simm.s32 $0x380;
	s25 =	simm.s32 $0x400;
	s24 =	simm.s32 $0x100  }
0xe0: {  	s23 =	simm.s32 $0x600;
	s22 =	simm.s32 $0x180;
	s21 =	simm.s32 $0x680  }
0xe1: {  	s20 =	simm.s32 $0x480;
	s17 =	simm.s32 $0x700;
	s16 =	stileid.u32  }
.LBB2_6:
0xe2: {  	[sflag:s12] =	ssyncadd.s32 @p0 $0xFFFFC000  }
0xe3: {  	[tilespmem:s2], [sflag:$0x1] =	stream.linear.gather [hbm4b:s0+s2], $0x280, $0x38;
	[tilespmem:$0x8780] =	vst v63  }
0xe4: {  	s1 =	rddreg [dreg:$0x5]  }
0xe5: {  	[tilespmem:s29], [sflag:$0x1] =	stream.linear.gather [hbm4b:s1+s2], $0x280, $0x38;
	[tilespmem:$0x8780] =	vst v63  }
0xe6: {  	s0 =	rddreg [dreg:$0x6]  }
0xe7: {  	[tilespmem:s28], [sflag:$0x1] =	stream.linear.gather [hbm4b:s0+s2], $0x280, $0x38;
	[tilespmem:$0x8780] =	vst v63  }
0xe8: {  	_ =	swait.ge [sflag:s31], $0x280  }
0xe9: {  	[sflag:s31] =	ssyncset.done $0x0  }
0xea: {  	[sflag:s31] =	ssyncadd.s32 $0xFFFFFD80  }
0xeb: {  	_ =	swait.ge [sflag:s31], $0x280  }
0xec: {  	[sflag:s31] =	ssyncset.done $0x0  }
0xed: {  	[sflag:s31] =	ssyncadd.s32 $0xFFFFFD80  }
0xee: {  	_ =	swait.ge [sflag:s31], $0x280  }
0xef: {  	[sflag:s31] =	ssyncset.done $0x0  }
0xf0: {  	[sflag:s31] =	ssyncadd.s32 $0xFFFFFD80  }
0xf1: {  	[tilespmem:s7], [sflag:$0x2] =	stream.indirect.gather [hbm4b:s4+s11], $0x80, s29, s11, $0xb8;
	[tilespmem:$0x8780] =	vst v63  }
0xf2: {  	_ =	swait.ge [sflag:s13], $0x4000  }
0xf3: {  	[sflag:s13] =	ssyncset.done $0x0  }
0xf4: {  	[sflag:s13] =	ssyncadd.s32 $0xFFFFC000  }
0xf5: {  	[tilespmem:s7], [sflag:$0x4] =	stream.indirect.gather.add.f32 [hbm:s3], $0x80, s28, s11, $0xb8;
	[tilespmem:$0x8780] =	vst v63  }
0xf6: {  	_ = 	snop  }
0xf7: {  	[tilespmem:s7], [sflag:$0x4] =	stream.indirect.gather.add.f32 [hbm:s6], $0x80, s2, s11, $0xb8;
	[tilespmem:$0x8780] =	vst v63  }
0xf8: {  	_ = 	snop  }
0xf9: {  	[tilespmem:s14], [sflag:$0x3] =	stream.indirect.gather [hbm4b:s4+s11], $0x80, s19, s11, $0xb8;
	[tilespmem:$0x8780] =	vst v63  }
0xfa: {  	_ =	swait.ge [sflag:s10], $0x4000  }
0xfb: {  	[sflag:s10] =	ssyncset.done $0x0  }
0xfc: {  	[sflag:s10] =	ssyncadd.s32 $0xFFFFC000  }
0xfd: {  	_ =	swait.ge [sflag:s10], $0x4000  }
0xfe: {  	[sflag:s10] =	ssyncset.done $0x0  }
0xff: {  	s28 =	rddreg [dreg:$0x7];
	[sflag:s10] =	ssyncadd.s32 $0xFFFFC000  }
0x100: {  	[hbm4b:s28+s2] =	stream.linear.scatter [tilespmem:s7], [sflag:$0x6], $0x4000, $0x38;
	[tilespmem:$0x8780] =	vst v63  }
0x101: {  	_ =	swait.ge [sflag:s18], $0x4000  }
0x102: {  	[sflag:s18] =	ssyncset.done $0x0  }
0x103: {  	[sflag:s18] =	ssyncadd.s32 $0xFFFFC000  }
0x104: {  	[tilespmem:s14], [sflag:$0x5] =	stream.indirect.gather.add.f32 [hbm:s3], $0x80, s30, s11, $0xb8;
	[tilespmem:$0x8780] =	vst v63  }
0x105: {  	_ = 	snop  }
0x106: {  	[tilespmem:s14], [sflag:$0x5] =	stream.indirect.gather.add.f32 [hbm:s6], $0x80, s11, s11, $0xb8;
	[tilespmem:$0x8780] =	vst v63  }
0x107: {  	_ =	swait.ge [sflag:s8], $0x4000  }
0x108: {  	[sflag:s8] =	ssyncset.done $0x0  }
0x109: {  	[sflag:s8] =	ssyncadd.s32 $0xFFFFC000  }
0x10a: {  	[tilespmem:s7], [sflag:$0x2] =	stream.indirect.gather [hbm4b:s4+s11], $0x80, s26, s11, $0xb8;
	[tilespmem:$0x8780] =	vst v63  }
0x10b: {  	_ =	swait.ge [sflag:s15], $0x4000  }
0x10c: {  	[sflag:s15] =	ssyncset.done $0x0  }
0x10d: {  	[sflag:s15] =	ssyncadd.s32 $0xFFFFC000  }
0x10e: {  	_ =	swait.ge [sflag:s15], $0x4000  }
0x10f: {  	[sflag:s15] =	ssyncset.done $0x0  }
0x110: {  	s29 =	rddreg [dreg:$0x8];
	[sflag:s15] =	ssyncadd.s32 $0xFFFFC000  }
0x111: {  	[hbm4b:s29+s2] =	stream.linear.scatter [tilespmem:s14], [sflag:$0x7], $0x4000, $0x38;
	[tilespmem:$0x8780] =	vst v63  }
0x112: {  	_ =	swait.ge [sflag:s13], $0x4000  }
0x113: {  	[sflag:s13] =	ssyncset.done $0x0  }
0x114: {  	[sflag:s13] =	ssyncadd.s32 $0xFFFFC000  }
0x115: {  	[tilespmem:s7], [sflag:$0x4] =	stream.indirect.gather.add.f32 [hbm:s3], $0x80, s23, s11, $0xb8;
	[tilespmem:$0x8780] =	vst v63  }
0x116: {  	_ = 	snop  }
0x117: {  	[tilespmem:s7], [sflag:$0x4] =	stream.indirect.gather.add.f32 [hbm:s6], $0x80, s24, s11, $0xb8;
	[tilespmem:$0x8780] =	vst v63  }
0x118: {  	_ =	swait.ge [sflag:s12], $0x4000  }
0x119: {  	[sflag:s12] =	ssyncset.done $0x0  }
0x11a: {  	[sflag:s12] =	ssyncadd.s32 $0xFFFFC000  }
0x11b: {  	[tilespmem:s14], [sflag:$0x3] =	stream.indirect.gather [hbm4b:s4+s11], $0x80, s25, s11, $0xb8;
	[tilespmem:$0x8780] =	vst v63  }
0x11c: {  	_ =	swait.ge [sflag:s10], $0x4000  }
0x11d: {  	[sflag:s10] =	ssyncset.done $0x0  }
0x11e: {  	[sflag:s10] =	ssyncadd.s32 $0xFFFFC000  }
0x11f: {  	_ =	swait.ge [sflag:s10], $0x4000  }
0x120: {  	[sflag:s10] =	ssyncset.done $0x0  }
0x121: {  	s30 =	rddreg [dreg:$0x9];
	[sflag:s10] =	ssyncadd.s32 $0xFFFFC000  }
0x122: {  	[hbm4b:s30+s2] =	stream.linear.scatter [tilespmem:s7], [sflag:$0x6], $0x4000, $0x38;
	[tilespmem:$0x8780] =	vst v63  }
0x123: {  	_ =	swait.ge [sflag:s18], $0x4000  }
0x124: {  	[sflag:s18] =	ssyncset.done $0x0  }
0x125: {  	[sflag:s18] =	ssyncadd.s32 $0xFFFFC000  }
0x126: {  	[tilespmem:s14], [sflag:$0x5] =	stream.indirect.gather.add.f32 [hbm:s3], $0x80, s21, s11, $0xb8;
	[tilespmem:$0x8780] =	vst v63  }
0x127: {  	_ = 	snop  }
0x128: {  	[tilespmem:s14], [sflag:$0x5] =	stream.indirect.gather.add.f32 [hbm:s6], $0x80, s22, s11, $0xb8;
	[tilespmem:$0x8780] =	vst v63  }
0x129: {  	_ =	swait.ge [sflag:s8], $0x4000  }
0x12a: {  	[sflag:s8] =	ssyncset.done $0x0  }
0x12b: {  	[sflag:s8] =	ssyncadd.s32 $0xFFFFC000  }
0x12c: {  	[tilespmem:s7], [sflag:$0x2] =	stream.indirect.gather [hbm4b:s4+s11], $0x80, s20, s11, $0xb8;
	[tilespmem:$0x8780] =	vst v63  }
0x12d: {  	_ =	swait.ge [sflag:s15], $0x4000  }
0x12e: {  	[sflag:s15] =	ssyncset.done $0x0  }
0x12f: {  	[sflag:s15] =	ssyncadd.s32 $0xFFFFC000  }
0x130: {  	_ =	swait.ge [sflag:s15], $0x4000  }
0x131: {  	[sflag:s15] =	ssyncset.done $0x0  }
0x132: {  	[sflag:s15] =	ssyncadd.s32 $0xFFFFC000  }
0x133: {  	[hbm4b:s9+s2] =	stream.linear.scatter [tilespmem:s14], [sflag:$0x7], $0x4000, $0x38;
	[tilespmem:$0x8780] =	vst v63  }
0x134: {  	_ =	swait.ge [sflag:s13], $0x4000  }
0x135: {  	[sflag:s13] =	ssyncset.done $0x0  }
0x136: {  	[sflag:s13] =	ssyncadd.s32 $0xFFFFC000  }
0x137: {  	[tilespmem:s7], [sflag:$0x4] =	stream.indirect.gather.add.f32 [hbm:s3], $0x80, s17, s11, $0xb8;
	[tilespmem:$0x8780] =	vst v63  }
0x138: {  	s31 =	simm.s32 $0x200  }
0x139: {  	[tilespmem:s7], [sflag:$0x4] =	stream.indirect.gather.add.f32 [hbm:s6], $0x80, s31, s11, $0xb8;
	[tilespmem:$0x8780] =	vst v63  }
0x13a: {  	_ =	swait.ge [sflag:s10], $0x4000  }
0x13b: {  	[sflag:s10] =	ssyncset.done $0x0  }
0x13c: {  	[sflag:s10] =	ssyncadd.s32 $0xFFFFC000  }
0x13d: {  	_ =	swait.ge [sflag:s10], $0x4000  }
0x13e: {  	[sflag:s10] =	ssyncset.done $0x0  }
0x13f: {  	[sflag:s10] =	ssyncadd.s32 $0xFFFFC000  }
0x140: {  	[hbm4b:s5+s2] =	stream.linear.scatter [tilespmem:s7], [sflag:$0x6], $0x4000, $0x38;
	[tilespmem:$0x8780] =	vst v63  }
0x141: {  	_ =	swait.ge [sflag:s8], $0x4000  }
0x142: {  	[sflag:s8] =	ssyncset.done $0x0  }
0x143: {  	[sflag:s8] =	ssyncadd.s32 $0xFFFFC000  }
0x144: {  	_ =	swait.ge [sflag:s12], $0x4000  }
0x145: {  	[sflag:s12] =	ssyncset.done $0x0  }
0x146: {  	[sflag:s12] =	ssyncadd.s32 $0xFFFFC000  }
0x147: {  	_ =	sfence.sel $0x180000  }
0x148: {  	[bflag:$0x0] =	sbarrier.arrive $0xFFFF  }
0x149: {  	_ =	strace $0x90000047  }
0x14a: {  	[bflag:$0x2] =	sbarrier.arrive $0xFFFF  }
0x14b: {  	p0 =	sne.s32 s16, $0x0;
	s0 =	rddreg [dreg:$0x3]  }
0x14c: {  	s0 =	sadd.s32 @!p0 $0x100000, s0  }
0x14d: {  	[sflag:s0] =	ssyncadd.tile.s32 @!p0 $0x1;
	_ =	shalt  }
.LBB2_1:
.Ltmp3:
0x14e: {  	(pc) =	sbr.rel .LBB2_6-.Ltmp3, $4  }
0x14f: {  	s19 =	simm.s32 $0x300  }
0x150: {  	s30 =	simm.s32 $0x580;
	s26 =	simm.s32 $0x380;
	s25 =	simm.s32 $0x400  }
0x151: {  	s24 =	simm.s32 $0x100;
	s23 =	simm.s32 $0x600;
	s22 =	simm.s32 $0x180  }
0x152: {  	s21 =	simm.s32 $0x680;
	s20 =	simm.s32 $0x480;
	s17 =	simm.s32 $0x700  }
.LBB2_3:
.Ltmp4:
0x153: {  	(pc) =	sbr.rel .LBB2_6-.Ltmp4, $4  }
0x154: {  	s19 =	simm.s32 $0x300;
	s30 =	simm.s32 $0x580  }
0x155: {  	s26 =	simm.s32 $0x380;
	s25 =	simm.s32 $0x400;
	s24 =	simm.s32 $0x100  }
0x156: {  	s23 =	simm.s32 $0x600;
	s22 =	simm.s32 $0x180;
	s21 =	simm.s32 $0x680  }
0x157: {  	s20 =	simm.s32 $0x480;
	s17 =	simm.s32 $0x700;
	s16 =	stileid.u32  }
.Lfunc_end2:
_tile_overlayer_lowered:
.L_overlay_start_2:
0x158: {  	(tag) =	ssettag $0x2  }
0x159: {  	s0 =	rddreg [dreg:$0x0];
	s2 =	stileid.u32  }
0x15a: {  	s1 =	rddreg [dreg:$0x1];
	p0 =	sne.s32 s2, $0x0  }
0x15b: {  	s3 =	rddreg [dreg:$0x2];
	[bflag:$0x3] =	sbarrier.arrive $0xFFFF;
	s2 =	simm.s32 @!p0 $0x1C08  }
0x15c: {  	[timem:s3], [sflag:s2] =	dma.local @!p0 [hbm:s0], s1  }
0x15d: {  	s0 =	simm.s32 @!p0 $0x8  }
0x15e: {  	_ =	swait.ge @!p0 [sflag:s0], s1  }
0x15f: {  	s1 =	ssub.s32 @!p0 $0x0, s1;
	[sflag:s0] =	ssyncset.done @!p0 $0x0  }
0x160: {  	[sflag:s0] =	ssyncadd.s32 @!p0 s1  }
0x161: {  	[bflag:$0x3] =	sbarrier.arrive $0xFFFF  }
0x162: {  	_ =	shalt  }

</sc_bundles>
